<compile_context>
chip_gen: v7x
topology: tpu7x:2x2x1
jax: 0.10.2.dev20260603
libtpu: 0.0.44.dev20260713+nightly
codegen_flags: <defaults>
</compile_context>

<pallas_src>
import functools

import jax
import jax.numpy as jnp
from jax import lax
from jax.experimental import pallas as pl
from jax.experimental.pallas import tpu as pltpu
from jax.experimental.pallas import tpu_sc as plsc

N = 1966080
BETA = 1.0 / 9.0

NC = 2
NS = 16
L = 16
NW = NC * NS
LANES = 128
ROWS = N // LANES

R_SC = 6144
SC_CR = 32
SC_RPW = R_SC // NW
SC_CHUNKS = SC_RPW // SC_CR
assert SC_RPW * NW == R_SC
assert SC_CHUNKS * SC_CR == SC_RPW and SC_CHUNKS % 2 == 0

BR = 512
TC_ROW0 = R_SC
TC_BLOCKS = (ROWS - TC_ROW0) // BR
assert TC_ROW0 % BR == 0 and TC_BLOCKS * BR + TC_ROW0 == ROWS

_mesh = plsc.VectorSubcoreMesh(
    core_axis_name="c", subcore_axis_name="s", num_cores=NC, num_subcores=NS
)


def _vf(c):
    return jnp.full((L,), c, jnp.float32)


def _vi(c):
    return jnp.full((L,), c, jnp.int32)


@functools.partial(
    pl.kernel,
    out_type=jax.ShapeDtypeStruct((NW, LANES), jnp.float32),
    mesh=_mesh,
    compiler_params=pltpu.CompilerParams(use_tc_tiling_on_sc=True),
    scratch_types=[
        pltpu.VMEM((2, SC_CR, LANES), jnp.float32),
        pltpu.VMEM((2, SC_CR, LANES), jnp.int32),
        pltpu.VMEM((2, 4 * SC_CR, LANES), jnp.float32),
        pltpu.VMEM((2, 4 * SC_CR, LANES), jnp.float32),
        pltpu.VMEM((LANES,), jnp.float32),
        pltpu.SemaphoreType.DMA,
        pltpu.SemaphoreType.DMA,
    ],
)
def _rpn_sc(obj_hbm, lab_hbm, pred_hbm, gt_hbm, out_hbm,
            obj_v, lab_v, pred_v, gt_v, part_v, sem0, sem1):
    wid = lax.axis_index("c") * NS + lax.axis_index("s")
    base = wid * SC_RPW
    sems = (sem0, sem1)

    def _copies(g, slot):
        sem = sems[slot]
        r0 = base + g * SC_CR
        return (
            pltpu.make_async_copy(obj_hbm.at[pl.ds(r0, SC_CR)], obj_v.at[slot], sem),
            pltpu.make_async_copy(lab_hbm.at[pl.ds(r0, SC_CR)], lab_v.at[slot], sem),
            pltpu.make_async_copy(pred_hbm.at[pl.ds(4 * r0, 4 * SC_CR)], pred_v.at[slot], sem),
            pltpu.make_async_copy(gt_hbm.at[pl.ds(4 * r0, 4 * SC_CR)], gt_v.at[slot], sem),
        )

    def _start(g, slot):
        for c in _copies(g, slot):
            c.start()

    def _wait(g, slot):
        for c in _copies(g, slot):
            c.wait()

    def _group(i, slot, accs):
        acc_cls, acc_loc, acc_val = accs
        r = jax.lax.shift_right_logical(i, 3)
        col = jax.lax.shift_left(jax.lax.rem(i, 8), 4)
        x = obj_v.at[slot][r, pl.ds(col, L)]
        lab = lab_v.at[slot][r, pl.ds(col, L)]
        ones, zeros = _vf(1.0), _vf(0.0)
        posf = jnp.where(lab == _vi(1), ones, zeros)
        validf = jnp.where(lab != _vi(2), ones, zeros)
        t = jnp.exp(zeros - jnp.abs(x))
        z = t / (_vf(2.0) + t)
        w = z * z
        l1p = (_vf(2.0) * z) * (
            ones + w * (_vf(1.0 / 3.0)
                        + w * (_vf(1.0 / 5.0)
                               + w * (_vf(1.0 / 7.0) + w * _vf(1.0 / 9.0))))
        )
        ce = jnp.maximum(x, zeros) - x * posf + l1p
        acc_cls = acc_cls + ce * validf
        acc_val = acc_val + validf
        dr = jax.lax.shift_left(r, 2)
        for c in range(4):
            p = pred_v.at[slot][dr + c, pl.ds(col, L)]
            g = gt_v.at[slot][dr + c, pl.ds(col, L)]
            d = p - g
            a = jnp.abs(d)
            sl1 = jnp.where(a < _vf(BETA), _vf(0.5 / BETA) * d * d, a - _vf(0.5 * BETA))
            acc_loc = acc_loc + sl1 * posf
        return acc_cls, acc_loc, acc_val

    def _compute(slot, accs):
        return lax.fori_loop(
            0, SC_CR * (LANES // L),
            lambda i, cv: _group(i, slot, cv),
            accs,
        )

    zero = jnp.zeros((L,), jnp.float32)
    _start(0, 0)

    def outer(o, accs):
        g0 = 2 * o
        _start(g0 + 1, 1)
        _wait(g0, 0)
        accs = _compute(0, accs)

        @pl.when(o < SC_CHUNKS // 2 - 1)
        def _():
            _start(g0 + 2, 0)

        _wait(g0 + 1, 1)
        return _compute(1, accs)

    acc_cls, acc_loc, acc_val = lax.fori_loop(0, SC_CHUNKS // 2, outer, (zero, zero, zero))

    part_v[pl.ds(0, L)] = acc_cls
    part_v[pl.ds(16, L)] = acc_loc
    part_v[pl.ds(32, L)] = acc_val
    part_v[pl.ds(48, L)] = jnp.zeros((L,), jnp.float32)
    part_v[pl.ds(64, L)] = jnp.zeros((L,), jnp.float32)
    part_v[pl.ds(80, L)] = jnp.zeros((L,), jnp.float32)
    part_v[pl.ds(96, L)] = jnp.zeros((L,), jnp.float32)
    part_v[pl.ds(112, L)] = jnp.zeros((L,), jnp.float32)
    pltpu.sync_copy(part_v, out_hbm.at[wid])


def _tc_body(obj_ref, lab_ref, pred_ref, gt_ref, cls_ref, loc_ref, val_ref, rmat_ref):
    i = pl.program_id(0)

    @pl.when(i == 0)
    def _():
        comp = lax.broadcasted_iota(jnp.int32, (4 * BR, BR), 0)
        anch = lax.broadcasted_iota(jnp.int32, (4 * BR, BR), 1)
        rmat_ref[...] = (jax.lax.shift_right_logical(comp, 2) == anch).astype(jnp.bfloat16)
    x = obj_ref[...]
    lab = lab_ref[...]
    posf = (lab == 1).astype(jnp.float32)
    validf = (lab != 2).astype(jnp.float32)
    ce = jnp.maximum(x, 0.0) - x * posf + jnp.log(1.0 + jnp.exp(-jnp.abs(x)))
    pc = jnp.sum(ce * validf)
    pv = jnp.sum(validf)

    d = pred_ref[...] - gt_ref[...]
    a = jnp.abs(d)
    sl1 = jnp.where(a < BETA, (0.5 / BETA) * d * d, a - 0.5 * BETA)
    labh = (lab == 1).astype(jnp.bfloat16)
    labrep = jax.lax.dot(rmat_ref[...], labh, preferred_element_type=jnp.float32)
    pl_ = jnp.sum(sl1 * labrep)

    @pl.when(i == 0)
    def _():
        cls_ref[0, 0] = 0.0
        loc_ref[0, 0] = 0.0
        val_ref[0, 0] = 0.0

    cls_ref[0, 0] += pc
    loc_ref[0, 0] += pl_
    val_ref[0, 0] += pv


def kernel(pred_objectness_logits, pred_anchor_deltas, gt_anchor_deltas, gt_labels):
    obj2 = pred_objectness_logits.reshape(ROWS, LANES)
    lab2 = gt_labels.reshape(ROWS, LANES)
    pred3 = pred_anchor_deltas.reshape(ROWS, LANES, 4).swapaxes(1, 2).reshape(4 * ROWS, LANES)
    gt3 = gt_anchor_deltas.reshape(ROWS, LANES, 4).swapaxes(1, 2).reshape(4 * ROWS, LANES)
    sc_parts = _rpn_sc(obj2, lab2, pred3, gt3)

    cls_tc, loc_tc, val_tc = pl.pallas_call(
        _tc_body,
        grid=(TC_BLOCKS,),
        in_specs=[
            pl.BlockSpec((BR, LANES), lambda i: (TC_ROW0 // BR + i, 0)),
            pl.BlockSpec((BR, LANES), lambda i: (TC_ROW0 // BR + i, 0)),
            pl.BlockSpec((4 * BR, LANES), lambda i: (TC_ROW0 // BR + i, 0)),
            pl.BlockSpec((4 * BR, LANES), lambda i: (TC_ROW0 // BR + i, 0)),
        ],
        scratch_shapes=[pltpu.VMEM((4 * BR, BR), jnp.bfloat16)],
        out_specs=[
            pl.BlockSpec(memory_space=pltpu.SMEM),
            pl.BlockSpec(memory_space=pltpu.SMEM),
            pl.BlockSpec(memory_space=pltpu.SMEM),
        ],
        out_shape=[
            jax.ShapeDtypeStruct((1, 1), jnp.float32),
            jax.ShapeDtypeStruct((1, 1), jnp.float32),
            jax.ShapeDtypeStruct((1, 1), jnp.float32),
        ],
    )(obj2, lab2, pred3, gt3)

    p = sc_parts.reshape(NW, 8, L)
    loss_cls = jnp.sum(p[:, 0, :]) + cls_tc[0, 0]
    loss_loc = jnp.sum(p[:, 1, :]) + loc_tc[0, 0]
    valid = jnp.sum(p[:, 2, :]) + val_tc[0, 0]
    return (loss_cls + loss_loc) / jnp.maximum(valid, 1.0)

# --- scband reference (transcript-rebuilt; emitter-appended) ---
"""Pipeline reference for scband-rpn-66855460930053 (READ-ONLY COPY).

The authoritative reference and input builder live on the scoring server;
editing this copy changes nothing except your own understanding.
"""

import jax, jax.numpy as jnp
import numpy as np

N = 1966080
SMOOTH_L1_BETA = 1.0 / 9.0


def setup_inputs(seed: int = 0) -> dict:
    key = jax.random.key(seed)
    k1, k2, k3, k4 = jax.random.split(key, 4)
    pred_objectness_logits = jax.random.normal(k1, (N,), dtype=jnp.float32)
    pred_anchor_deltas = jax.random.normal(k2, (N, 4), dtype=jnp.float32)
    gt_anchor_deltas = jax.random.normal(k3, (N, 4), dtype=jnp.float32)
    # label encoding: 0 = negative anchor, 1 = positive anchor, 2 = ignore
    gt_labels = jax.random.randint(k4, (N,), 0, 3, dtype=jnp.int32)
    return {
        "pred_objectness_logits": pred_objectness_logits,
        "pred_anchor_deltas": pred_anchor_deltas,
        "gt_anchor_deltas": gt_anchor_deltas,
        "gt_labels": gt_labels,
    }


def reference(pred_objectness_logits, pred_anchor_deltas, gt_anchor_deltas, gt_labels):
    # RPN losses (detectron2-style): objectness BCE-with-logits over valid anchors
    # + smooth-L1 box regression over positive anchors, shared normalizer.
    valid_mask = (gt_labels != 2)
    pos_mask = (gt_labels == 1)
    labels_f = pos_mask.astype(jnp.float32)
    valid_f = valid_mask.astype(jnp.float32)

    # numerically stable binary cross entropy with logits
    x = pred_objectness_logits
    ce = jnp.maximum(x, 0.0) - x * labels_f + jnp.log1p(jnp.exp(-jnp.abs(x)))
    loss_cls = jnp.sum(ce * valid_f)

    # smooth L1 on positive anchors only
    diff = pred_anchor_deltas - gt_anchor_deltas
    abs_diff = jnp.abs(diff)
    sl1 = jnp.where(
        abs_diff < SMOOTH_L1_BETA,
        0.5 * diff * diff / SMOOTH_L1_BETA,
        abs_diff - 0.5 * SMOOTH_L1_BETA,
    )
    loss_loc = jnp.sum(sl1 * labels_f[:, None])

    normalizer = jnp.maximum(jnp.sum(valid_f), 1.0)
    total_loss = (loss_cls + loss_loc) / normalizer
    return total_loss

if __name__ == "__main__":
    import jax
    _d = setup_inputs()
    print(jax.jit(kernel)(*tuple(_d.values())))

</pallas_src>

<mosaic_0001>
#map = affine_map<(d0, d1) -> (0, 0)>
module attributes {stable_mosaic.version = 14 : i64} {
  func.func @_rpn_sc(%arg0: i32, %arg1: i32, %arg2: memref<15360x128xf32, #tpu.memory_space<hbm>>, %arg3: memref<15360x128xi32, #tpu.memory_space<hbm>>, %arg4: memref<61440x128xf32, #tpu.memory_space<hbm>>, %arg5: memref<61440x128xf32, #tpu.memory_space<hbm>>, %arg6: memref<32x128xf32, #tpu.memory_space<hbm>>, %arg7: memref<2x32x128xf32, #tpu.memory_space<vmem>>, %arg8: memref<2x32x128xi32, #tpu.memory_space<vmem>>, %arg9: memref<2x128x128xf32, #tpu.memory_space<vmem>>, %arg10: memref<2x128x128xf32, #tpu.memory_space<vmem>>, %arg11: memref<128xf32, #tpu.memory_space<vmem>>, %arg12: memref<!tpu.dma_semaphore, #tpu.memory_space<semaphore_mem>>, %arg13: memref<!tpu.dma_semaphore, #tpu.memory_space<semaphore_mem>>) attributes {dimension_semantics = [#tpu.dimension_semantics<core_parallel>, #tpu.dimension_semantics<subcore_parallel>], iteration_bounds = array<i64: 2, 16>, scalar_prefetch = 0 : i64, scratch_operands = 7 : i64, tpu.core_type = #tpu.core_type<sc_vector_subcore>, window_params = [{transform_indices = #map}, {transform_indices = #map}, {transform_indices = #map}, {transform_indices = #map}, {transform_indices = #map}]} {
    %mul3A = arith.constant 16 : i32
    %mul3A_0 = arith.muli %arg0, %mul3A : i32
    %add3A = arith.addi %mul3A_0, %arg1 : i32
    %mul3A_1 = arith.constant 192 : i32
    %mul3A_2 = arith.muli %add3A, %mul3A_1 : i32
    %broadcast_in_dim3A = arith.constant 0.000000e+00 : f32
    %broadcast_in_dim3A_3 = vector.broadcast %broadcast_in_dim3A : f32 to vector<16xf32>
    %add3A_4 = arith.constant 0 : i32
    %add3A_5 = arith.addi %mul3A_2, %add3A_4 : i32
    %mul3A_6 = arith.constant 4 : i32
    %mul3A_7 = arith.muli %mul3A_6, %add3A_5 : i32
    %mul3A_8 = arith.constant 4 : i32
    %mul3A_9 = arith.muli %mul3A_8, %add3A_5 : i32
    %dma_start3A = arith.constant 0 : i32
    %dma_start3A_10 = arith.constant 0 : i32
    %dma_start3A_11 = arith.constant 0 : i32
    %dma_start3A_12 = tpu.memref_slice %arg7[%dma_start3A, %dma_start3A_10, %dma_start3A_11] : memref<2x32x128xf32, #tpu.memory_space<vmem>> -> memref<1x32x128xf32, #tpu.memory_space<vmem>>
    %dma_start3A_13 = tpu.memref_squeeze %dma_start3A_12 : memref<1x32x128xf32, #tpu.memory_space<vmem>> -> memref<32x128xf32, #tpu.memory_space<vmem>>
    %dma_start3A_14 = arith.constant 0 : i32
    %dma_start3A_15 = tpu.memref_slice %arg2[%add3A_5, %dma_start3A_14] : memref<15360x128xf32, #tpu.memory_space<hbm>> -> memref<32x128xf32, #tpu.memory_space<hbm>>
    %dma_start3A_16 = arith.constant 0 : i32
    %dma_start3A_17 = arith.constant 0 : i32
    %dma_start3A_18 = tpu.memref_slice %arg7[%dma_start3A, %dma_start3A_16, %dma_start3A_17] : memref<2x32x128xf32, #tpu.memory_space<vmem>> -> memref<1x32x128xf32, #tpu.memory_space<vmem>>
    %dma_start3A_19 = tpu.memref_squeeze %dma_start3A_18 : memref<1x32x128xf32, #tpu.memory_space<vmem>> -> memref<32x128xf32, #tpu.memory_space<vmem>>
    %dma_start3A_20 = arith.constant 0 : i32
    %dma_start3A_21 = tpu.memref_slice %arg2[%add3A_5, %dma_start3A_20] : memref<15360x128xf32, #tpu.memory_space<hbm>> -> memref<32x128xf32, #tpu.memory_space<hbm>>
    tpu.enqueue_dma source(%dma_start3A_21 : memref<32x128xf32, #tpu.memory_space<hbm>>) target(%dma_start3A_19 : memref<32x128xf32, #tpu.memory_space<vmem>>) target_semaphore(%arg12 : memref<!tpu.dma_semaphore, #tpu.memory_space<semaphore_mem>>)
    %dma_start3A_22 = arith.constant 0 : i32
    %dma_start3A_23 = arith.constant 0 : i32
    %dma_start3A_24 = arith.constant 0 : i32
    %dma_start3A_25 = tpu.memref_slice %arg8[%dma_start3A_22, %dma_start3A_23, %dma_start3A_24] : memref<2x32x128xi32, #tpu.memory_space<vmem>> -> memref<1x32x128xi32, #tpu.memory_space<vmem>>
    %dma_start3A_26 = tpu.memref_squeeze %dma_start3A_25 : memref<1x32x128xi32, #tpu.memory_space<vmem>> -> memref<32x128xi32, #tpu.memory_space<vmem>>
    %dma_start3A_27 = arith.constant 0 : i32
    %dma_start3A_28 = tpu.memref_slice %arg3[%add3A_5, %dma_start3A_27] : memref<15360x128xi32, #tpu.memory_space<hbm>> -> memref<32x128xi32, #tpu.memory_space<hbm>>
    %dma_start3A_29 = arith.constant 0 : i32
    %dma_start3A_30 = arith.constant 0 : i32
    %dma_start3A_31 = tpu.memref_slice %arg8[%dma_start3A_22, %dma_start3A_29, %dma_start3A_30] : memref<2x32x128xi32, #tpu.memory_space<vmem>> -> memref<1x32x128xi32, #tpu.memory_space<vmem>>
    %dma_start3A_32 = tpu.memref_squeeze %dma_start3A_31 : memref<1x32x128xi32, #tpu.memory_space<vmem>> -> memref<32x128xi32, #tpu.memory_space<vmem>>
    %dma_start3A_33 = arith.constant 0 : i32
    %dma_start3A_34 = tpu.memref_slice %arg3[%add3A_5, %dma_start3A_33] : memref<15360x128xi32, #tpu.memory_space<hbm>> -> memref<32x128xi32, #tpu.memory_space<hbm>>
    tpu.enqueue_dma source(%dma_start3A_34 : memref<32x128xi32, #tpu.memory_space<hbm>>) target(%dma_start3A_32 : memref<32x128xi32, #tpu.memory_space<vmem>>) target_semaphore(%arg12 : memref<!tpu.dma_semaphore, #tpu.memory_space<semaphore_mem>>)
    %dma_start3A_35 = arith.constant 0 : i32
    %dma_start3A_36 = arith.constant 0 : i32
    %dma_start3A_37 = arith.constant 0 : i32
    %dma_start3A_38 = tpu.memref_slice %arg9[%dma_start3A_35, %dma_start3A_36, %dma_start3A_37] : memref<2x128x128xf32, #tpu.memory_space<vmem>> -> memref<1x128x128xf32, #tpu.memory_space<vmem>>
    %dma_start3A_39 = tpu.memref_squeeze %dma_start3A_38 : memref<1x128x128xf32, #tpu.memory_space<vmem>> -> memref<128x128xf32, #tpu.memory_space<vmem>>
    %dma_start3A_40 = arith.constant 0 : i32
    %dma_start3A_41 = tpu.memref_slice %arg4[%mul3A_7, %dma_start3A_40] : memref<61440x128xf32, #tpu.memory_space<hbm>> -> memref<128x128xf32, #tpu.memory_space<hbm>>
    %dma_start3A_42 = arith.constant 0 : i32
    %dma_start3A_43 = arith.constant 0 : i32
    %dma_start3A_44 = tpu.memref_slice %arg9[%dma_start3A_35, %dma_start3A_42, %dma_start3A_43] : memref<2x128x128xf32, #tpu.memory_space<vmem>> -> memref<1x128x128xf32, #tpu.memory_space<vmem>>
    %dma_start3A_45 = tpu.memref_squeeze %dma_start3A_44 : memref<1x128x128xf32, #tpu.memory_space<vmem>> -> memref<128x128xf32, #tpu.memory_space<vmem>>
    %dma_start3A_46 = arith.constant 0 : i32
    %dma_start3A_47 = tpu.memref_slice %arg4[%mul3A_7, %dma_start3A_46] : memref<61440x128xf32, #tpu.memory_space<hbm>> -> memref<128x128xf32, #tpu.memory_space<hbm>>
    tpu.enqueue_dma source(%dma_start3A_47 : memref<128x128xf32, #tpu.memory_space<hbm>>) target(%dma_start3A_45 : memref<128x128xf32, #tpu.memory_space<vmem>>) target_semaphore(%arg12 : memref<!tpu.dma_semaphore, #tpu.memory_space<semaphore_mem>>)
    %dma_start3A_48 = arith.constant 0 : i32
    %dma_start3A_49 = arith.constant 0 : i32
    %dma_start3A_50 = arith.constant 0 : i32
    %dma_start3A_51 = tpu.memref_slice %arg10[%dma_start3A_48, %dma_start3A_49, %dma_start3A_50] : memref<2x128x128xf32, #tpu.memory_space<vmem>> -> memref<1x128x128xf32, #tpu.memory_space<vmem>>
    %dma_start3A_52 = tpu.memref_squeeze %dma_start3A_51 : memref<1x128x128xf32, #tpu.memory_space<vmem>> -> memref<128x128xf32, #tpu.memory_space<vmem>>
    %dma_start3A_53 = arith.constant 0 : i32
    %dma_start3A_54 = tpu.memref_slice %arg5[%mul3A_9, %dma_start3A_53] : memref<61440x128xf32, #tpu.memory_space<hbm>> -> memref<128x128xf32, #tpu.memory_space<hbm>>
    %dma_start3A_55 = arith.constant 0 : i32
    %dma_start3A_56 = arith.constant 0 : i32
    %dma_start3A_57 = tpu.memref_slice %arg10[%dma_start3A_48, %dma_start3A_55, %dma_start3A_56] : memref<2x128x128xf32, #tpu.memory_space<vmem>> -> memref<1x128x128xf32, #tpu.memory_space<vmem>>
    %dma_start3A_58 = tpu.memref_squeeze %dma_start3A_57 : memref<1x128x128xf32, #tpu.memory_space<vmem>> -> memref<128x128xf32, #tpu.memory_space<vmem>>
    %dma_start3A_59 = arith.constant 0 : i32
    %dma_start3A_60 = tpu.memref_slice %arg5[%mul3A_9, %dma_start3A_59] : memref<61440x128xf32, #tpu.memory_space<hbm>> -> memref<128x128xf32, #tpu.memory_space<hbm>>
    tpu.enqueue_dma source(%dma_start3A_60 : memref<128x128xf32, #tpu.memory_space<hbm>>) target(%dma_start3A_58 : memref<128x128xf32, #tpu.memory_space<vmem>>) target_semaphore(%arg12 : memref<!tpu.dma_semaphore, #tpu.memory_space<semaphore_mem>>)
    %scan3A = arith.constant 0 : i32
    %scan3A_61 = arith.constant 3 : i32
    %scan3A_62 = arith.addi %scan3A, %scan3A_61 : i32
    %scan3A_63 = arith.constant 1 : i32
    %scan3A_64:3 = scf.for %scan3A_107 = %scan3A to %scan3A_62 step %scan3A_63 iter_args(%scan3A_108 = %broadcast_in_dim3A_3, %scan3A_109 = %broadcast_in_dim3A_3, %scan3A_110 = %broadcast_in_dim3A_3) -> (vector<16xf32>, vector<16xf32>, vector<16xf32>)  : i32 {
      %mul3A_111 = arith.constant 2 : i32
      %mul3A_112 = arith.muli %mul3A_111, %scan3A_107 : i32
      %add3A_113 = arith.constant 1 : i32
      %add3A_114 = arith.addi %mul3A_112, %add3A_113 : i32
      %mul3A_115 = arith.constant 32 : i32
      %mul3A_116 = arith.muli %add3A_114, %mul3A_115 : i32
      %add3A_117 = arith.addi %mul3A_2, %mul3A_116 : i32
      %mul3A_118 = arith.constant 4 : i32
      %mul3A_119 = arith.muli %mul3A_118, %add3A_117 : i32
      %mul3A_120 = arith.constant 4 : i32
      %mul3A_121 = arith.muli %mul3A_120, %add3A_117 : i32
      %dma_start3A_122 = arith.constant 1 : i32
      %dma_start3A_123 = arith.constant 0 : i32
      %dma_start3A_124 = arith.constant 0 : i32
      %dma_start3A_125 = tpu.memref_slice %arg7[%dma_start3A_122, %dma_start3A_123, %dma_start3A_124] : memref<2x32x128xf32, #tpu.memory_space<vmem>> -> memref<1x32x128xf32, #tpu.memory_space<vmem>>
      %dma_start3A_126 = tpu.memref_squeeze %dma_start3A_125 : memref<1x32x128xf32, #tpu.memory_space<vmem>> -> memref<32x128xf32, #tpu.memory_space<vmem>>
      %dma_start3A_127 = arith.constant 0 : i32
      %dma_start3A_128 = tpu.memref_slice %arg2[%add3A_117, %dma_start3A_127] : memref<15360x128xf32, #tpu.memory_space<hbm>> -> memref<32x128xf32, #tpu.memory_space<hbm>>
      %dma_start3A_129 = arith.constant 0 : i32
      %dma_start3A_130 = arith.constant 0 : i32
      %dma_start3A_131 = tpu.memref_slice %arg7[%dma_start3A_122, %dma_start3A_129, %dma_start3A_130] : memref<2x32x128xf32, #tpu.memory_space<vmem>> -> memref<1x32x128xf32, #tpu.memory_space<vmem>>
      %dma_start3A_132 = tpu.memref_squeeze %dma_start3A_131 : memref<1x32x128xf32, #tpu.memory_space<vmem>> -> memref<32x128xf32, #tpu.memory_space<vmem>>
      %dma_start3A_133 = arith.constant 0 : i32
      %dma_start3A_134 = tpu.memref_slice %arg2[%add3A_117, %dma_start3A_133] : memref<15360x128xf32, #tpu.memory_space<hbm>> -> memref<32x128xf32, #tpu.memory_space<hbm>>
      tpu.enqueue_dma source(%dma_start3A_134 : memref<32x128xf32, #tpu.memory_space<hbm>>) target(%dma_start3A_132 : memref<32x128xf32, #tpu.memory_space<vmem>>) target_semaphore(%arg13 : memref<!tpu.dma_semaphore, #tpu.memory_space<semaphore_mem>>)
      %dma_start3A_135 = arith.constant 1 : i32
      %dma_start3A_136 = arith.constant 0 : i32
      %dma_start3A_137 = arith.constant 0 : i32
      %dma_start3A_138 = tpu.memref_slice %arg8[%dma_start3A_135, %dma_start3A_136, %dma_start3A_137] : memref<2x32x128xi32, #tpu.memory_space<vmem>> -> memref<1x32x128xi32, #tpu.memory_space<vmem>>
      %dma_start3A_139 = tpu.memref_squeeze %dma_start3A_138 : memref<1x32x128xi32, #tpu.memory_space<vmem>> -> memref<32x128xi32, #tpu.memory_space<vmem>>
      %dma_start3A_140 = arith.constant 0 : i32
      %dma_start3A_141 = tpu.memref_slice %arg3[%add3A_117, %dma_start3A_140] : memref<15360x128xi32, #tpu.memory_space<hbm>> -> memref<32x128xi32, #tpu.memory_space<hbm>>
      %dma_start3A_142 = arith.constant 0 : i32
      %dma_start3A_143 = arith.constant 0 : i32
      %dma_start3A_144 = tpu.memref_slice %arg8[%dma_start3A_135, %dma_start3A_142, %dma_start3A_143] : memref<2x32x128xi32, #tpu.memory_space<vmem>> -> memref<1x32x128xi32, #tpu.memory_space<vmem>>
      %dma_start3A_145 = tpu.memref_squeeze %dma_start3A_144 : memref<1x32x128xi32, #tpu.memory_space<vmem>> -> memref<32x128xi32, #tpu.memory_space<vmem>>
      %dma_start3A_146 = arith.constant 0 : i32
      %dma_start3A_147 = tpu.memref_slice %arg3[%add3A_117, %dma_start3A_146] : memref<15360x128xi32, #tpu.memory_space<hbm>> -> memref<32x128xi32, #tpu.memory_space<hbm>>
      tpu.enqueue_dma source(%dma_start3A_147 : memref<32x128xi32, #tpu.memory_space<hbm>>) target(%dma_start3A_145 : memref<32x128xi32, #tpu.memory_space<vmem>>) target_semaphore(%arg13 : memref<!tpu.dma_semaphore, #tpu.memory_space<semaphore_mem>>)
      %dma_start3A_148 = arith.constant 1 : i32
      %dma_start3A_149 = arith.constant 0 : i32
      %dma_start3A_150 = arith.constant 0 : i32
      %dma_start3A_151 = tpu.memref_slice %arg9[%dma_start3A_148, %dma_start3A_149, %dma_start3A_150] : memref<2x128x128xf32, #tpu.memory_space<vmem>> -> memref<1x128x128xf32, #tpu.memory_space<vmem>>
      %dma_start3A_152 = tpu.memref_squeeze %dma_start3A_151 : memref<1x128x128xf32, #tpu.memory_space<vmem>> -> memref<128x128xf32, #tpu.memory_space<vmem>>
      %dma_start3A_153 = arith.constant 0 : i32
      %dma_start3A_154 = tpu.memref_slice %arg4[%mul3A_119, %dma_start3A_153] : memref<61440x128xf32, #tpu.memory_space<hbm>> -> memref<128x128xf32, #tpu.memory_space<hbm>>
      %dma_start3A_155 = arith.constant 0 : i32
      %dma_start3A_156 = arith.constant 0 : i32
      %dma_start3A_157 = tpu.memref_slice %arg9[%dma_start3A_148, %dma_start3A_155, %dma_start3A_156] : memref<2x128x128xf32, #tpu.memory_space<vmem>> -> memref<1x128x128xf32, #tpu.memory_space<vmem>>
      %dma_start3A_158 = tpu.memref_squeeze %dma_start3A_157 : memref<1x128x128xf32, #tpu.memory_space<vmem>> -> memref<128x128xf32, #tpu.memory_space<vmem>>
      %dma_start3A_159 = arith.constant 0 : i32
      %dma_start3A_160 = tpu.memref_slice %arg4[%mul3A_119, %dma_start3A_159] : memref<61440x128xf32, #tpu.memory_space<hbm>> -> memref<128x128xf32, #tpu.memory_space<hbm>>
      tpu.enqueue_dma source(%dma_start3A_160 : memref<128x128xf32, #tpu.memory_space<hbm>>) target(%dma_start3A_158 : memref<128x128xf32, #tpu.memory_space<vmem>>) target_semaphore(%arg13 : memref<!tpu.dma_semaphore, #tpu.memory_space<semaphore_mem>>)
      %dma_start3A_161 = arith.constant 1 : i32
      %dma_start3A_162 = arith.constant 0 : i32
      %dma_start3A_163 = arith.constant 0 : i32
      %dma_start3A_164 = tpu.memref_slice %arg10[%dma_start3A_161, %dma_start3A_162, %dma_start3A_163] : memref<2x128x128xf32, #tpu.memory_space<vmem>> -> memref<1x128x128xf32, #tpu.memory_space<vmem>>
      %dma_start3A_165 = tpu.memref_squeeze %dma_start3A_164 : memref<1x128x128xf32, #tpu.memory_space<vmem>> -> memref<128x128xf32, #tpu.memory_space<vmem>>
      %dma_start3A_166 = arith.constant 0 : i32
      %dma_start3A_167 = tpu.memref_slice %arg5[%mul3A_121, %dma_start3A_166] : memref<61440x128xf32, #tpu.memory_space<hbm>> -> memref<128x128xf32, #tpu.memory_space<hbm>>
      %dma_start3A_168 = arith.constant 0 : i32
      %dma_start3A_169 = arith.constant 0 : i32
      %dma_start3A_170 = tpu.memref_slice %arg10[%dma_start3A_161, %dma_start3A_168, %dma_start3A_169] : memref<2x128x128xf32, #tpu.memory_space<vmem>> -> memref<1x128x128xf32, #tpu.memory_space<vmem>>
      %dma_start3A_171 = tpu.memref_squeeze %dma_start3A_170 : memref<1x128x128xf32, #tpu.memory_space<vmem>> -> memref<128x128xf32, #tpu.memory_space<vmem>>
      %dma_start3A_172 = arith.constant 0 : i32
      %dma_start3A_173 = tpu.memref_slice %arg5[%mul3A_121, %dma_start3A_172] : memref<61440x128xf32, #tpu.memory_space<hbm>> -> memref<128x128xf32, #tpu.memory_space<hbm>>
      tpu.enqueue_dma source(%dma_start3A_173 : memref<128x128xf32, #tpu.memory_space<hbm>>) target(%dma_start3A_171 : memref<128x128xf32, #tpu.memory_space<vmem>>) target_semaphore(%arg13 : memref<!tpu.dma_semaphore, #tpu.memory_space<semaphore_mem>>)
      %mul3A_174 = arith.constant 32 : i32
      %mul3A_175 = arith.muli %mul3A_112, %mul3A_174 : i32
      %add3A_176 = arith.addi %mul3A_2, %mul3A_175 : i32
      %mul3A_177 = arith.constant 4 : i32
      %mul3A_178 = arith.muli %mul3A_177, %add3A_176 : i32
      %mul3A_179 = arith.constant 4 : i32
      %mul3A_180 = arith.muli %mul3A_179, %add3A_176 : i32
      %dma_wait3A = arith.constant 0 : i32
      %dma_wait3A_181 = arith.constant 0 : i32
      %dma_wait3A_182 = arith.constant 0 : i32
      %dma_wait3A_183 = tpu.memref_slice %arg7[%dma_wait3A, %dma_wait3A_181, %dma_wait3A_182] : memref<2x32x128xf32, #tpu.memory_space<vmem>> -> memref<1x32x128xf32, #tpu.memory_space<vmem>>
      %dma_wait3A_184 = tpu.memref_squeeze %dma_wait3A_183 : memref<1x32x128xf32, #tpu.memory_space<vmem>> -> memref<32x128xf32, #tpu.memory_space<vmem>>
      %dma_wait3A_185 = arith.constant 0 : i32
      %dma_wait3A_186 = tpu.memref_slice %arg2[%add3A_176, %dma_wait3A_185] : memref<15360x128xf32, #tpu.memory_space<hbm>> -> memref<32x128xf32, #tpu.memory_space<hbm>>
      %dma_wait3A_187 = arith.constant 0 : i32
      %dma_wait3A_188 = arith.constant 0 : i32
      %dma_wait3A_189 = tpu.memref_slice %arg7[%dma_wait3A, %dma_wait3A_187, %dma_wait3A_188] : memref<2x32x128xf32, #tpu.memory_space<vmem>> -> memref<1x32x128xf32, #tpu.memory_space<vmem>>
      %dma_wait3A_190 = tpu.memref_squeeze %dma_wait3A_189 : memref<1x32x128xf32, #tpu.memory_space<vmem>> -> memref<32x128xf32, #tpu.memory_space<vmem>>
      %dma_wait3A_191 = arith.constant 0 : i32
      %dma_wait3A_192 = tpu.memref_slice %arg2[%add3A_176, %dma_wait3A_191] : memref<15360x128xf32, #tpu.memory_space<hbm>> -> memref<32x128xf32, #tpu.memory_space<hbm>>
      tpu.wait_dma2 semaphore(%arg12 : memref<!tpu.dma_semaphore, #tpu.memory_space<semaphore_mem>>) src(%dma_wait3A_192 : memref<32x128xf32, #tpu.memory_space<hbm>>) dst(%dma_wait3A_190 : memref<32x128xf32, #tpu.memory_space<vmem>>)
      %dma_wait3A_193 = arith.constant 0 : i32
      %dma_wait3A_194 = arith.constant 0 : i32
      %dma_wait3A_195 = arith.constant 0 : i32
      %dma_wait3A_196 = tpu.memref_slice %arg8[%dma_wait3A_193, %dma_wait3A_194, %dma_wait3A_195] : memref<2x32x128xi32, #tpu.memory_space<vmem>> -> memref<1x32x128xi32, #tpu.memory_space<vmem>>
      %dma_wait3A_197 = tpu.memref_squeeze %dma_wait3A_196 : memref<1x32x128xi32, #tpu.memory_space<vmem>> -> memref<32x128xi32, #tpu.memory_space<vmem>>
      %dma_wait3A_198 = arith.constant 0 : i32
      %dma_wait3A_199 = tpu.memref_slice %arg3[%add3A_176, %dma_wait3A_198] : memref<15360x128xi32, #tpu.memory_space<hbm>> -> memref<32x128xi32, #tpu.memory_space<hbm>>
      %dma_wait3A_200 = arith.constant 0 : i32
      %dma_wait3A_201 = arith.constant 0 : i32
      %dma_wait3A_202 = tpu.memref_slice %arg8[%dma_wait3A_193, %dma_wait3A_200, %dma_wait3A_201] : memref<2x32x128xi32, #tpu.memory_space<vmem>> -> memref<1x32x128xi32, #tpu.memory_space<vmem>>
      %dma_wait3A_203 = tpu.memref_squeeze %dma_wait3A_202 : memref<1x32x128xi32, #tpu.memory_space<vmem>> -> memref<32x128xi32, #tpu.memory_space<vmem>>
      %dma_wait3A_204 = arith.constant 0 : i32
      %dma_wait3A_205 = tpu.memref_slice %arg3[%add3A_176, %dma_wait3A_204] : memref<15360x128xi32, #tpu.memory_space<hbm>> -> memref<32x128xi32, #tpu.memory_space<hbm>>
      tpu.wait_dma2 semaphore(%arg12 : memref<!tpu.dma_semaphore, #tpu.memory_space<semaphore_mem>>) src(%dma_wait3A_205 : memref<32x128xi32, #tpu.memory_space<hbm>>) dst(%dma_wait3A_203 : memref<32x128xi32, #tpu.memory_space<vmem>>)
      %dma_wait3A_206 = arith.constant 0 : i32
      %dma_wait3A_207 = arith.constant 0 : i32
      %dma_wait3A_208 = arith.constant 0 : i32
      %dma_wait3A_209 = tpu.memref_slice %arg9[%dma_wait3A_206, %dma_wait3A_207, %dma_wait3A_208] : memref<2x128x128xf32, #tpu.memory_space<vmem>> -> memref<1x128x128xf32, #tpu.memory_space<vmem>>
      %dma_wait3A_210 = tpu.memref_squeeze %dma_wait3A_209 : memref<1x128x128xf32, #tpu.memory_space<vmem>> -> memref<128x128xf32, #tpu.memory_space<vmem>>
      %dma_wait3A_211 = arith.constant 0 : i32
      %dma_wait3A_212 = tpu.memref_slice %arg4[%mul3A_178, %dma_wait3A_211] : memref<61440x128xf32, #tpu.memory_space<hbm>> -> memref<128x128xf32, #tpu.memory_space<hbm>>
      %dma_wait3A_213 = arith.constant 0 : i32
      %dma_wait3A_214 = arith.constant 0 : i32
      %dma_wait3A_215 = tpu.memref_slice %arg9[%dma_wait3A_206, %dma_wait3A_213, %dma_wait3A_214] : memref<2x128x128xf32, #tpu.memory_space<vmem>> -> memref<1x128x128xf32, #tpu.memory_space<vmem>>
      %dma_wait3A_216 = tpu.memref_squeeze %dma_wait3A_215 : memref<1x128x128xf32, #tpu.memory_space<vmem>> -> memref<128x128xf32, #tpu.memory_space<vmem>>
      %dma_wait3A_217 = arith.constant 0 : i32
      %dma_wait3A_218 = tpu.memref_slice %arg4[%mul3A_178, %dma_wait3A_217] : memref<61440x128xf32, #tpu.memory_space<hbm>> -> memref<128x128xf32, #tpu.memory_space<hbm>>
      tpu.wait_dma2 semaphore(%arg12 : memref<!tpu.dma_semaphore, #tpu.memory_space<semaphore_mem>>) src(%dma_wait3A_218 : memref<128x128xf32, #tpu.memory_space<hbm>>) dst(%dma_wait3A_216 : memref<128x128xf32, #tpu.memory_space<vmem>>)
      %dma_wait3A_219 = arith.constant 0 : i32
      %dma_wait3A_220 = arith.constant 0 : i32
      %dma_wait3A_221 = arith.constant 0 : i32
      %dma_wait3A_222 = tpu.memref_slice %arg10[%dma_wait3A_219, %dma_wait3A_220, %dma_wait3A_221] : memref<2x128x128xf32, #tpu.memory_space<vmem>> -> memref<1x128x128xf32, #tpu.memory_space<vmem>>
      %dma_wait3A_223 = tpu.memref_squeeze %dma_wait3A_222 : memref<1x128x128xf32, #tpu.memory_space<vmem>> -> memref<128x128xf32, #tpu.memory_space<vmem>>
      %dma_wait3A_224 = arith.constant 0 : i32
      %dma_wait3A_225 = tpu.memref_slice %arg5[%mul3A_180, %dma_wait3A_224] : memref<61440x128xf32, #tpu.memory_space<hbm>> -> memref<128x128xf32, #tpu.memory_space<hbm>>
      %dma_wait3A_226 = arith.constant 0 : i32
      %dma_wait3A_227 = arith.constant 0 : i32
      %dma_wait3A_228 = tpu.memref_slice %arg10[%dma_wait3A_219, %dma_wait3A_226, %dma_wait3A_227] : memref<2x128x128xf32, #tpu.memory_space<vmem>> -> memref<1x128x128xf32, #tpu.memory_space<vmem>>
      %dma_wait3A_229 = tpu.memref_squeeze %dma_wait3A_228 : memref<1x128x128xf32, #tpu.memory_space<vmem>> -> memref<128x128xf32, #tpu.memory_space<vmem>>
      %dma_wait3A_230 = arith.constant 0 : i32
      %dma_wait3A_231 = tpu.memref_slice %arg5[%mul3A_180, %dma_wait3A_230] : memref<61440x128xf32, #tpu.memory_space<hbm>> -> memref<128x128xf32, #tpu.memory_space<hbm>>
      tpu.wait_dma2 semaphore(%arg12 : memref<!tpu.dma_semaphore, #tpu.memory_space<semaphore_mem>>) src(%dma_wait3A_231 : memref<128x128xf32, #tpu.memory_space<hbm>>) dst(%dma_wait3A_229 : memref<128x128xf32, #tpu.memory_space<vmem>>)
      %scan3A_232 = arith.constant 0 : i32
      %scan3A_233 = arith.constant 256 : i32
      %scan3A_234 = arith.addi %scan3A_232, %scan3A_233 : i32
      %scan3A_235 = arith.constant 1 : i32
      %scan3A_236:3 = scf.for %scan3A_307 = %scan3A_232 to %scan3A_234 step %scan3A_235 iter_args(%scan3A_308 = %scan3A_108, %scan3A_309 = %scan3A_109, %scan3A_310 = %scan3A_110) -> (vector<16xf32>, vector<16xf32>, vector<16xf32>)  : i32 {
        %shift_right_logical3A = arith.constant 3 : i32
        %shift_right_logical3A_311 = arith.shrui %scan3A_307, %shift_right_logical3A : i32
        %rem3A = arith.constant 8 : i32
        %rem3A_312 = arith.remsi %scan3A_307, %rem3A : i32
        %shift_left3A = arith.constant 4 : i32
        %shift_left3A_313 = arith.shli %rem3A_312, %shift_left3A : i32
        %get3A = arith.constant 0 : i32
        %get3A_314 = arith.constant 0 : i32
        %get3A_315 = arith.constant 0 : i32
        %get3A_316 = tpu.memref_slice %arg7[%get3A, %get3A_314, %get3A_315] : memref<2x32x128xf32, #tpu.memory_space<vmem>> -> memref<1x32x128xf32, #tpu.memory_space<vmem>>
        %get3A_317 = tpu.memref_squeeze %get3A_316 : memref<1x32x128xf32, #tpu.memory_space<vmem>> -> memref<32x128xf32, #tpu.memory_space<vmem>>
        %get3A_318 = arith.index_cast %shift_right_logical3A_311 : i32 to index
        %get3A_319 = arith.index_cast %shift_left3A_313 : i32 to index
        %get3A_320 = tpu.vector_load %get3A_317[%get3A_318, %get3A_319] {strides = array<i32>} : memref<32x128xf32, #tpu.memory_space<vmem>>, vector<1x16xf32>,
        %get3A_321 = vector.shape_cast %get3A_320 : vector<1x16xf32> to vector<16xf32>
        %get3A_322 = arith.constant 0 : i32
        %get3A_323 = arith.constant 0 : i32
        %get3A_324 = arith.constant 0 : i32
        %get3A_325 = tpu.memref_slice %arg8[%get3A_322, %get3A_323, %get3A_324] : memref<2x32x128xi32, #tpu.memory_space<vmem>> -> memref<1x32x128xi32, #tpu.memory_space<vmem>>
        %get3A_326 = tpu.memref_squeeze %get3A_325 : memref<1x32x128xi32, #tpu.memory_space<vmem>> -> memref<32x128xi32, #tpu.memory_space<vmem>>
        %get3A_327 = arith.index_cast %shift_right_logical3A_311 : i32 to index
        %get3A_328 = arith.index_cast %shift_left3A_313 : i32 to index
        %get3A_329 = tpu.vector_load %get3A_326[%get3A_327, %get3A_328] {strides = array<i32>} : memref<32x128xi32, #tpu.memory_space<vmem>>, vector<1x16xi32>,
        %get3A_330 = vector.shape_cast %get3A_329 : vector<1x16xi32> to vector<16xi32>
        %broadcast_in_dim3A_331 = arith.constant 1.000000e+00 : f32
        %broadcast_in_dim3A_332 = vector.broadcast %broadcast_in_dim3A_331 : f32 to vector<16xf32>
        %broadcast_in_dim3A_333 = arith.constant 0.000000e+00 : f32
        %broadcast_in_dim3A_334 = vector.broadcast %broadcast_in_dim3A_333 : f32 to vector<16xf32>
        %broadcast_in_dim3A_335 = arith.constant 1 : i32
        %broadcast_in_dim3A_336 = vector.broadcast %broadcast_in_dim3A_335 : i32 to vector<16xi32>
        %eq3A = arith.cmpi eq, %get3A_330, %broadcast_in_dim3A_336 : vector<16xi32>
        %select_n3A = arith.select %eq3A, %broadcast_in_dim3A_332, %broadcast_in_dim3A_334 : vector<16xi1>, vector<16xf32>
        %broadcast_in_dim3A_337 = arith.constant 2 : i32
        %broadcast_in_dim3A_338 = vector.broadcast %broadcast_in_dim3A_337 : i32 to vector<16xi32>
        %ne3A = arith.cmpi ne, %get3A_330, %broadcast_in_dim3A_338 : vector<16xi32>
        %select_n3A_339 = arith.select %ne3A, %broadcast_in_dim3A_332, %broadcast_in_dim3A_334 : vector<16xi1>, vector<16xf32>
        %abs3A = math.absf %get3A_321 : vector<16xf32>
        %sub3A = arith.subf %broadcast_in_dim3A_334, %abs3A : vector<16xf32>
        %exp3A = math.exp %sub3A : vector<16xf32>
        %broadcast_in_dim3A_340 = arith.constant 2.000000e+00 : f32
        %broadcast_in_dim3A_341 = vector.broadcast %broadcast_in_dim3A_340 : f32 to vector<16xf32>
        %add3A_342 = arith.addf %broadcast_in_dim3A_341, %exp3A : vector<16xf32>
        %div3A = arith.divf %exp3A, %add3A_342 : vector<16xf32>
        %mul3A_343 = arith.mulf %div3A, %div3A : vector<16xf32>
        %broadcast_in_dim3A_344 = arith.constant 2.000000e+00 : f32
        %broadcast_in_dim3A_345 = vector.broadcast %broadcast_in_dim3A_344 : f32 to vector<16xf32>
        %mul3A_346 = arith.mulf %broadcast_in_dim3A_345, %div3A : vector<16xf32>
        %broadcast_in_dim3A_347 = arith.constant 0.333333343 : f32
        %broadcast_in_dim3A_348 = vector.broadcast %broadcast_in_dim3A_347 : f32 to vector<16xf32>
        %broadcast_in_dim3A_349 = arith.constant 2.000000e-01 : f32
        %broadcast_in_dim3A_350 = vector.broadcast %broadcast_in_dim3A_349 : f32 to vector<16xf32>
        %broadcast_in_dim3A_351 = arith.constant 0.142857149 : f32
        %broadcast_in_dim3A_352 = vector.broadcast %broadcast_in_dim3A_351 : f32 to vector<16xf32>
        %broadcast_in_dim3A_353 = arith.constant 0.111111112 : f32
        %broadcast_in_dim3A_354 = vector.broadcast %broadcast_in_dim3A_353 : f32 to vector<16xf32>
        %mul3A_355 = arith.mulf %mul3A_343, %broadcast_in_dim3A_354 : vector<16xf32>
        %add3A_356 = arith.addf %broadcast_in_dim3A_352, %mul3A_355 : vector<16xf32>
        %mul3A_357 = arith.mulf %mul3A_343, %add3A_356 : vector<16xf32>
        %add3A_358 = arith.addf %broadcast_in_dim3A_350, %mul3A_357 : vector<16xf32>
        %mul3A_359 = arith.mulf %mul3A_343, %add3A_358 : vector<16xf32>
        %add3A_360 = arith.addf %broadcast_in_dim3A_348, %mul3A_359 : vector<16xf32>
        %mul3A_361 = arith.mulf %mul3A_343, %add3A_360 : vector<16xf32>
        %add3A_362 = arith.addf %broadcast_in_dim3A_332, %mul3A_361 : vector<16xf32>
        %mul3A_363 = arith.mulf %mul3A_346, %add3A_362 : vector<16xf32>
        %max3A = arith.maximumf %get3A_321, %broadcast_in_dim3A_334 : vector<16xf32>
        %mul3A_364 = arith.mulf %get3A_321, %select_n3A : vector<16xf32>
        %sub3A_365 = arith.subf %max3A, %mul3A_364 : vector<16xf32>
        %add3A_366 = arith.addf %sub3A_365, %mul3A_363 : vector<16xf32>
        %mul3A_367 = arith.mulf %add3A_366, %select_n3A_339 : vector<16xf32>
        %add3A_368 = arith.addf %scan3A_308, %mul3A_367 : vector<16xf32>
        %add3A_369 = arith.addf %scan3A_310, %select_n3A_339 : vector<16xf32>
        %shift_left3A_370 = arith.constant 2 : i32
        %shift_left3A_371 = arith.shli %shift_right_logical3A_311, %shift_left3A_370 : i32
        %add3A_372 = arith.constant 0 : i32
        %add3A_373 = arith.addi %shift_left3A_371, %add3A_372 : i32
        %get3A_374 = arith.constant 0 : i32
        %get3A_375 = arith.constant 0 : i32
        %get3A_376 = arith.constant 0 : i32
        %get3A_377 = tpu.memref_slice %arg9[%get3A_374, %get3A_375, %get3A_376] : memref<2x128x128xf32, #tpu.memory_space<vmem>> -> memref<1x128x128xf32, #tpu.memory_space<vmem>>
        %get3A_378 = tpu.memref_squeeze %get3A_377 : memref<1x128x128xf32, #tpu.memory_space<vmem>> -> memref<128x128xf32, #tpu.memory_space<vmem>>
        %get3A_379 = arith.index_cast %add3A_373 : i32 to index
        %get3A_380 = arith.index_cast %shift_left3A_313 : i32 to index
        %get3A_381 = tpu.vector_load %get3A_378[%get3A_379, %get3A_380] {strides = array<i32>} : memref<128x128xf32, #tpu.memory_space<vmem>>, vector<1x16xf32>,
        %get3A_382 = vector.shape_cast %get3A_381 : vector<1x16xf32> to vector<16xf32>
        %add3A_383 = arith.constant 0 : i32
        %add3A_384 = arith.addi %shift_left3A_371, %add3A_383 : i32
        %get3A_385 = arith.constant 0 : i32
        %get3A_386 = arith.constant 0 : i32
        %get3A_387 = arith.constant 0 : i32
        %get3A_388 = tpu.memref_slice %arg10[%get3A_385, %get3A_386, %get3A_387] : memref<2x128x128xf32, #tpu.memory_space<vmem>> -> memref<1x128x128xf32, #tpu.memory_space<vmem>>
        %get3A_389 = tpu.memref_squeeze %get3A_388 : memref<1x128x128xf32, #tpu.memory_space<vmem>> -> memref<128x128xf32, #tpu.memory_space<vmem>>
        %get3A_390 = arith.index_cast %add3A_384 : i32 to index
        %get3A_391 = arith.index_cast %shift_left3A_313 : i32 to index
        %get3A_392 = tpu.vector_load %get3A_389[%get3A_390, %get3A_391] {strides = array<i32>} : memref<128x128xf32, #tpu.memory_space<vmem>>, vector<1x16xf32>,
        %get3A_393 = vector.shape_cast %get3A_392 : vector<1x16xf32> to vector<16xf32>
        %sub3A_394 = arith.subf %get3A_382, %get3A_393 : vector<16xf32>
        %abs3A_395 = math.absf %sub3A_394 : vector<16xf32>
        %broadcast_in_dim3A_396 = arith.constant 0.111111112 : f32
        %broadcast_in_dim3A_397 = vector.broadcast %broadcast_in_dim3A_396 : f32 to vector<16xf32>
        %lt3A_398 = arith.cmpf olt, %abs3A_395, %broadcast_in_dim3A_397 : vector<16xf32>
        %broadcast_in_dim3A_399 = arith.constant 4.500000e+00 : f32
        %broadcast_in_dim3A_400 = vector.broadcast %broadcast_in_dim3A_399 : f32 to vector<16xf32>
        %mul3A_401 = arith.mulf %broadcast_in_dim3A_400, %sub3A_394 : vector<16xf32>
        %mul3A_402 = arith.mulf %mul3A_401, %sub3A_394 : vector<16xf32>
        %broadcast_in_dim3A_403 = arith.constant 0.055555556 : f32
        %broadcast_in_dim3A_404 = vector.broadcast %broadcast_in_dim3A_403 : f32 to vector<16xf32>
        %sub3A_405 = arith.subf %abs3A_395, %broadcast_in_dim3A_404 : vector<16xf32>
        %select_n3A_406 = arith.select %lt3A_398, %mul3A_402, %sub3A_405 : vector<16xi1>, vector<16xf32>
        %mul3A_407 = arith.mulf %select_n3A_406, %select_n3A : vector<16xf32>
        %add3A_408 = arith.addf %scan3A_309, %mul3A_407 : vector<16xf32>
        %add3A_409 = arith.constant 1 : i32
        %add3A_410 = arith.addi %shift_left3A_371, %add3A_409 : i32
        %get3A_411 = arith.constant 0 : i32
        %get3A_412 = arith.constant 0 : i32
        %get3A_413 = arith.constant 0 : i32
        %get3A_414 = tpu.memref_slice %arg9[%get3A_411, %get3A_412, %get3A_413] : memref<2x128x128xf32, #tpu.memory_space<vmem>> -> memref<1x128x128xf32, #tpu.memory_space<vmem>>
        %get3A_415 = tpu.memref_squeeze %get3A_414 : memref<1x128x128xf32, #tpu.memory_space<vmem>> -> memref<128x128xf32, #tpu.memory_space<vmem>>
        %get3A_416 = arith.index_cast %add3A_410 : i32 to index
        %get3A_417 = arith.index_cast %shift_left3A_313 : i32 to index
        %get3A_418 = tpu.vector_load %get3A_415[%get3A_416, %get3A_417] {strides = array<i32>} : memref<128x128xf32, #tpu.memory_space<vmem>>, vector<1x16xf32>,
        %get3A_419 = vector.shape_cast %get3A_418 : vector<1x16xf32> to vector<16xf32>
        %add3A_420 = arith.constant 1 : i32
        %add3A_421 = arith.addi %shift_left3A_371, %add3A_420 : i32
        %get3A_422 = arith.constant 0 : i32
        %get3A_423 = arith.constant 0 : i32
        %get3A_424 = arith.constant 0 : i32
        %get3A_425 = tpu.memref_slice %arg10[%get3A_422, %get3A_423, %get3A_424] : memref<2x128x128xf32, #tpu.memory_space<vmem>> -> memref<1x128x128xf32, #tpu.memory_space<vmem>>
        %get3A_426 = tpu.memref_squeeze %get3A_425 : memref<1x128x128xf32, #tpu.memory_space<vmem>> -> memref<128x128xf32, #tpu.memory_space<vmem>>
        %get3A_427 = arith.index_cast %add3A_421 : i32 to index
        %get3A_428 = arith.index_cast %shift_left3A_313 : i32 to index
        %get3A_429 = tpu.vector_load %get3A_426[%get3A_427, %get3A_428] {strides = array<i32>} : memref<128x128xf32, #tpu.memory_space<vmem>>, vector<1x16xf32>,
        %get3A_430 = vector.shape_cast %get3A_429 : vector<1x16xf32> to vector<16xf32>
        %sub3A_431 = arith.subf %get3A_419, %get3A_430 : vector<16xf32>
        %abs3A_432 = math.absf %sub3A_431 : vector<16xf32>
        %broadcast_in_dim3A_433 = arith.constant 0.111111112 : f32
        %broadcast_in_dim3A_434 = vector.broadcast %broadcast_in_dim3A_433 : f32 to vector<16xf32>
        %lt3A_435 = arith.cmpf olt, %abs3A_432, %broadcast_in_dim3A_434 : vector<16xf32>
        %broadcast_in_dim3A_436 = arith.constant 4.500000e+00 : f32
        %broadcast_in_dim3A_437 = vector.broadcast %broadcast_in_dim3A_436 : f32 to vector<16xf32>
        %mul3A_438 = arith.mulf %broadcast_in_dim3A_437, %sub3A_431 : vector<16xf32>
        %mul3A_439 = arith.mulf %mul3A_438, %sub3A_431 : vector<16xf32>
        %broadcast_in_dim3A_440 = arith.constant 0.055555556 : f32
        %broadcast_in_dim3A_441 = vector.broadcast %broadcast_in_dim3A_440 : f32 to vector<16xf32>
        %sub3A_442 = arith.subf %abs3A_432, %broadcast_in_dim3A_441 : vector<16xf32>
        %select_n3A_443 = arith.select %lt3A_435, %mul3A_439, %sub3A_442 : vector<16xi1>, vector<16xf32>
        %mul3A_444 = arith.mulf %select_n3A_443, %select_n3A : vector<16xf32>
        %add3A_445 = arith.addf %add3A_408, %mul3A_444 : vector<16xf32>
        %add3A_446 = arith.constant 2 : i32
        %add3A_447 = arith.addi %shift_left3A_371, %add3A_446 : i32
        %get3A_448 = arith.constant 0 : i32
        %get3A_449 = arith.constant 0 : i32
        %get3A_450 = arith.constant 0 : i32
        %get3A_451 = tpu.memref_slice %arg9[%get3A_448, %get3A_449, %get3A_450] : memref<2x128x128xf32, #tpu.memory_space<vmem>> -> memref<1x128x128xf32, #tpu.memory_space<vmem>>
        %get3A_452 = tpu.memref_squeeze %get3A_451 : memref<1x128x128xf32, #tpu.memory_space<vmem>> -> memref<128x128xf32, #tpu.memory_space<vmem>>
        %get3A_453 = arith.index_cast %add3A_447 : i32 to index
        %get3A_454 = arith.index_cast %shift_left3A_313 : i32 to index
        %get3A_455 = tpu.vector_load %get3A_452[%get3A_453, %get3A_454] {strides = array<i32>} : memref<128x128xf32, #tpu.memory_space<vmem>>, vector<1x16xf32>,
        %get3A_456 = vector.shape_cast %get3A_455 : vector<1x16xf32> to vector<16xf32>
        %add3A_457 = arith.constant 2 : i32
        %add3A_458 = arith.addi %shift_left3A_371, %add3A_457 : i32
        %get3A_459 = arith.constant 0 : i32
        %get3A_460 = arith.constant 0 : i32
        %get3A_461 = arith.constant 0 : i32
        %get3A_462 = tpu.memref_slice %arg10[%get3A_459, %get3A_460, %get3A_461] : memref<2x128x128xf32, #tpu.memory_space<vmem>> -> memref<1x128x128xf32, #tpu.memory_space<vmem>>
        %get3A_463 = tpu.memref_squeeze %get3A_462 : memref<1x128x128xf32, #tpu.memory_space<vmem>> -> memref<128x128xf32, #tpu.memory_space<vmem>>
        %get3A_464 = arith.index_cast %add3A_458 : i32 to index
        %get3A_465 = arith.index_cast %shift_left3A_313 : i32 to index
        %get3A_466 = tpu.vector_load %get3A_463[%get3A_464, %get3A_465] {strides = array<i32>} : memref<128x128xf32, #tpu.memory_space<vmem>>, vector<1x16xf32>,
        %get3A_467 = vector.shape_cast %get3A_466 : vector<1x16xf32> to vector<16xf32>
        %sub3A_468 = arith.subf %get3A_456, %get3A_467 : vector<16xf32>
        %abs3A_469 = math.absf %sub3A_468 : vector<16xf32>
        %broadcast_in_dim3A_470 = arith.constant 0.111111112 : f32
        %broadcast_in_dim3A_471 = vector.broadcast %broadcast_in_dim3A_470 : f32 to vector<16xf32>
        %lt3A_472 = arith.cmpf olt, %abs3A_469, %broadcast_in_dim3A_471 : vector<16xf32>
        %broadcast_in_dim3A_473 = arith.constant 4.500000e+00 : f32
        %broadcast_in_dim3A_474 = vector.broadcast %broadcast_in_dim3A_473 : f32 to vector<16xf32>
        %mul3A_475 = arith.mulf %broadcast_in_dim3A_474, %sub3A_468 : vector<16xf32>
        %mul3A_476 = arith.mulf %mul3A_475, %sub3A_468 : vector<16xf32>
        %broadcast_in_dim3A_477 = arith.constant 0.055555556 : f32
        %broadcast_in_dim3A_478 = vector.broadcast %broadcast_in_dim3A_477 : f32 to vector<16xf32>
        %sub3A_479 = arith.subf %abs3A_469, %broadcast_in_dim3A_478 : vector<16xf32>
        %select_n3A_480 = arith.select %lt3A_472, %mul3A_476, %sub3A_479 : vector<16xi1>, vector<16xf32>
        %mul3A_481 = arith.mulf %select_n3A_480, %select_n3A : vector<16xf32>
        %add3A_482 = arith.addf %add3A_445, %mul3A_481 : vector<16xf32>
        %add3A_483 = arith.constant 3 : i32
        %add3A_484 = arith.addi %shift_left3A_371, %add3A_483 : i32
        %get3A_485 = arith.constant 0 : i32
        %get3A_486 = arith.constant 0 : i32
        %get3A_487 = arith.constant 0 : i32
        %get3A_488 = tpu.memref_slice %arg9[%get3A_485, %get3A_486, %get3A_487] : memref<2x128x128xf32, #tpu.memory_space<vmem>> -> memref<1x128x128xf32, #tpu.memory_space<vmem>>
        %get3A_489 = tpu.memref_squeeze %get3A_488 : memref<1x128x128xf32, #tpu.memory_space<vmem>> -> memref<128x128xf32, #tpu.memory_space<vmem>>
        %get3A_490 = arith.index_cast %add3A_484 : i32 to index
        %get3A_491 = arith.index_cast %shift_left3A_313 : i32 to index
        %get3A_492 = tpu.vector_load %get3A_489[%get3A_490, %get3A_491] {strides = array<i32>} : memref<128x128xf32, #tpu.memory_space<vmem>>, vector<1x16xf32>,
        %get3A_493 = vector.shape_cast %get3A_492 : vector<1x16xf32> to vector<16xf32>
        %add3A_494 = arith.constant 3 : i32
        %add3A_495 = arith.addi %shift_left3A_371, %add3A_494 : i32
        %get3A_496 = arith.constant 0 : i32
        %get3A_497 = arith.constant 0 : i32
        %get3A_498 = arith.constant 0 : i32
        %get3A_499 = tpu.memref_slice %arg10[%get3A_496, %get3A_497, %get3A_498] : memref<2x128x128xf32, #tpu.memory_space<vmem>> -> memref<1x128x128xf32, #tpu.memory_space<vmem>>
        %get3A_500 = tpu.memref_squeeze %get3A_499 : memref<1x128x128xf32, #tpu.memory_space<vmem>> -> memref<128x128xf32, #tpu.memory_space<vmem>>
        %get3A_501 = arith.index_cast %add3A_495 : i32 to index
        %get3A_502 = arith.index_cast %shift_left3A_313 : i32 to index
        %get3A_503 = tpu.vector_load %get3A_500[%get3A_501, %get3A_502] {strides = array<i32>} : memref<128x128xf32, #tpu.memory_space<vmem>>, vector<1x16xf32>,
        %get3A_504 = vector.shape_cast %get3A_503 : vector<1x16xf32> to vector<16xf32>
        %sub3A_505 = arith.subf %get3A_493, %get3A_504 : vector<16xf32>
        %abs3A_506 = math.absf %sub3A_505 : vector<16xf32>
        %broadcast_in_dim3A_507 = arith.constant 0.111111112 : f32
        %broadcast_in_dim3A_508 = vector.broadcast %broadcast_in_dim3A_507 : f32 to vector<16xf32>
        %lt3A_509 = arith.cmpf olt, %abs3A_506, %broadcast_in_dim3A_508 : vector<16xf32>
        %broadcast_in_dim3A_510 = arith.constant 4.500000e+00 : f32
        %broadcast_in_dim3A_511 = vector.broadcast %broadcast_in_dim3A_510 : f32 to vector<16xf32>
        %mul3A_512 = arith.mulf %broadcast_in_dim3A_511, %sub3A_505 : vector<16xf32>
        %mul3A_513 = arith.mulf %mul3A_512, %sub3A_505 : vector<16xf32>
        %broadcast_in_dim3A_514 = arith.constant 0.055555556 : f32
        %broadcast_in_dim3A_515 = vector.broadcast %broadcast_in_dim3A_514 : f32 to vector<16xf32>
        %sub3A_516 = arith.subf %abs3A_506, %broadcast_in_dim3A_515 : vector<16xf32>
        %select_n3A_517 = arith.select %lt3A_509, %mul3A_513, %sub3A_516 : vector<16xi1>, vector<16xf32>
        %mul3A_518 = arith.mulf %select_n3A_517, %select_n3A : vector<16xf32>
        %add3A_519 = arith.addf %add3A_482, %mul3A_518 : vector<16xf32>
        scf.yield %add3A_368, %add3A_519, %add3A_369 : vector<16xf32>, vector<16xf32>, vector<16xf32>
      }
      %scan3A_237 = arith.constant 256 : i32
      %lt3A = arith.constant 2 : i32
      %lt3A_238 = arith.cmpi slt, %scan3A_107, %lt3A : i32
      %convert_element_type3A = arith.extui %lt3A_238 : i1 to i32
      %cond3A = arith.constant 0 : i32
      %cond3A_239 = arith.cmpi ne, %convert_element_type3A, %cond3A : i32
      scf.if %cond3A_239 {
        %add3A_307 = arith.constant 2 : i32
        %add3A_308 = arith.addi %mul3A_112, %add3A_307 : i32
        %mul3A_309 = arith.constant 32 : i32
        %mul3A_310 = arith.muli %add3A_308, %mul3A_309 : i32
        %add3A_311 = arith.addi %mul3A_2, %mul3A_310 : i32
        %mul3A_312 = arith.constant 4 : i32
        %mul3A_313 = arith.muli %mul3A_312, %add3A_311 : i32
        %mul3A_314 = arith.constant 4 : i32
        %mul3A_315 = arith.muli %mul3A_314, %add3A_311 : i32
        %dma_start3A_316 = arith.constant 0 : i32
        %dma_start3A_317 = arith.constant 0 : i32
        %dma_start3A_318 = arith.constant 0 : i32
        %dma_start3A_319 = tpu.memref_slice %arg7[%dma_start3A_316, %dma_start3A_317, %dma_start3A_318] : memref<2x32x128xf32, #tpu.memory_space<vmem>> -> memref<1x32x128xf32, #tpu.memory_space<vmem>>
        %dma_start3A_320 = tpu.memref_squeeze %dma_start3A_319 : memref<1x32x128xf32, #tpu.memory_space<vmem>> -> memref<32x128xf32, #tpu.memory_space<vmem>>
        %dma_start3A_321 = arith.constant 0 : i32
        %dma_start3A_322 = tpu.memref_slice %arg2[%add3A_311, %dma_start3A_321] : memref<15360x128xf32, #tpu.memory_space<hbm>> -> memref<32x128xf32, #tpu.memory_space<hbm>>
        %dma_start3A_323 = arith.constant 0 : i32
        %dma_start3A_324 = arith.constant 0 : i32
        %dma_start3A_325 = tpu.memref_slice %arg7[%dma_start3A_316, %dma_start3A_323, %dma_start3A_324] : memref<2x32x128xf32, #tpu.memory_space<vmem>> -> memref<1x32x128xf32, #tpu.memory_space<vmem>>
        %dma_start3A_326 = tpu.memref_squeeze %dma_start3A_325 : memref<1x32x128xf32, #tpu.memory_space<vmem>> -> memref<32x128xf32, #tpu.memory_space<vmem>>
        %dma_start3A_327 = arith.constant 0 : i32
        %dma_start3A_328 = tpu.memref_slice %arg2[%add3A_311, %dma_start3A_327] : memref<15360x128xf32, #tpu.memory_space<hbm>> -> memref<32x128xf32, #tpu.memory_space<hbm>>
        tpu.enqueue_dma source(%dma_start3A_328 : memref<32x128xf32, #tpu.memory_space<hbm>>) target(%dma_start3A_326 : memref<32x128xf32, #tpu.memory_space<vmem>>) target_semaphore(%arg12 : memref<!tpu.dma_semaphore, #tpu.memory_space<semaphore_mem>>)
        %dma_start3A_329 = arith.constant 0 : i32
        %dma_start3A_330 = arith.constant 0 : i32
        %dma_start3A_331 = arith.constant 0 : i32
        %dma_start3A_332 = tpu.memref_slice %arg8[%dma_start3A_329, %dma_start3A_330, %dma_start3A_331] : memref<2x32x128xi32, #tpu.memory_space<vmem>> -> memref<1x32x128xi32, #tpu.memory_space<vmem>>
        %dma_start3A_333 = tpu.memref_squeeze %dma_start3A_332 : memref<1x32x128xi32, #tpu.memory_space<vmem>> -> memref<32x128xi32, #tpu.memory_space<vmem>>
        %dma_start3A_334 = arith.constant 0 : i32
        %dma_start3A_335 = tpu.memref_slice %arg3[%add3A_311, %dma_start3A_334] : memref<15360x128xi32, #tpu.memory_space<hbm>> -> memref<32x128xi32, #tpu.memory_space<hbm>>
        %dma_start3A_336 = arith.constant 0 : i32
        %dma_start3A_337 = arith.constant 0 : i32
        %dma_start3A_338 = tpu.memref_slice %arg8[%dma_start3A_329, %dma_start3A_336, %dma_start3A_337] : memref<2x32x128xi32, #tpu.memory_space<vmem>> -> memref<1x32x128xi32, #tpu.memory_space<vmem>>
        %dma_start3A_339 = tpu.memref_squeeze %dma_start3A_338 : memref<1x32x128xi32, #tpu.memory_space<vmem>> -> memref<32x128xi32, #tpu.memory_space<vmem>>
        %dma_start3A_340 = arith.constant 0 : i32
        %dma_start3A_341 = tpu.memref_slice %arg3[%add3A_311, %dma_start3A_340] : memref<15360x128xi32, #tpu.memory_space<hbm>> -> memref<32x128xi32, #tpu.memory_space<hbm>>
        tpu.enqueue_dma source(%dma_start3A_341 : memref<32x128xi32, #tpu.memory_space<hbm>>) target(%dma_start3A_339 : memref<32x128xi32, #tpu.memory_space<vmem>>) target_semaphore(%arg12 : memref<!tpu.dma_semaphore, #tpu.memory_space<semaphore_mem>>)
        %dma_start3A_342 = arith.constant 0 : i32
        %dma_start3A_343 = arith.constant 0 : i32
        %dma_start3A_344 = arith.constant 0 : i32
        %dma_start3A_345 = tpu.memref_slice %arg9[%dma_start3A_342, %dma_start3A_343, %dma_start3A_344] : memref<2x128x128xf32, #tpu.memory_space<vmem>> -> memref<1x128x128xf32, #tpu.memory_space<vmem>>
        %dma_start3A_346 = tpu.memref_squeeze %dma_start3A_345 : memref<1x128x128xf32, #tpu.memory_space<vmem>> -> memref<128x128xf32, #tpu.memory_space<vmem>>
        %dma_start3A_347 = arith.constant 0 : i32
        %dma_start3A_348 = tpu.memref_slice %arg4[%mul3A_313, %dma_start3A_347] : memref<61440x128xf32, #tpu.memory_space<hbm>> -> memref<128x128xf32, #tpu.memory_space<hbm>>
        %dma_start3A_349 = arith.constant 0 : i32
        %dma_start3A_350 = arith.constant 0 : i32
        %dma_start3A_351 = tpu.memref_slice %arg9[%dma_start3A_342, %dma_start3A_349, %dma_start3A_350] : memref<2x128x128xf32, #tpu.memory_space<vmem>> -> memref<1x128x128xf32, #tpu.memory_space<vmem>>
        %dma_start3A_352 = tpu.memref_squeeze %dma_start3A_351 : memref<1x128x128xf32, #tpu.memory_space<vmem>> -> memref<128x128xf32, #tpu.memory_space<vmem>>
        %dma_start3A_353 = arith.constant 0 : i32
        %dma_start3A_354 = tpu.memref_slice %arg4[%mul3A_313, %dma_start3A_353] : memref<61440x128xf32, #tpu.memory_space<hbm>> -> memref<128x128xf32, #tpu.memory_space<hbm>>
        tpu.enqueue_dma source(%dma_start3A_354 : memref<128x128xf32, #tpu.memory_space<hbm>>) target(%dma_start3A_352 : memref<128x128xf32, #tpu.memory_space<vmem>>) target_semaphore(%arg12 : memref<!tpu.dma_semaphore, #tpu.memory_space<semaphore_mem>>)
        %dma_start3A_355 = arith.constant 0 : i32
        %dma_start3A_356 = arith.constant 0 : i32
        %dma_start3A_357 = arith.constant 0 : i32
        %dma_start3A_358 = tpu.memref_slice %arg10[%dma_start3A_355, %dma_start3A_356, %dma_start3A_357] : memref<2x128x128xf32, #tpu.memory_space<vmem>> -> memref<1x128x128xf32, #tpu.memory_space<vmem>>
        %dma_start3A_359 = tpu.memref_squeeze %dma_start3A_358 : memref<1x128x128xf32, #tpu.memory_space<vmem>> -> memref<128x128xf32, #tpu.memory_space<vmem>>
        %dma_start3A_360 = arith.constant 0 : i32
        %dma_start3A_361 = tpu.memref_slice %arg5[%mul3A_315, %dma_start3A_360] : memref<61440x128xf32, #tpu.memory_space<hbm>> -> memref<128x128xf32, #tpu.memory_space<hbm>>
        %dma_start3A_362 = arith.constant 0 : i32
        %dma_start3A_363 = arith.constant 0 : i32
        %dma_start3A_364 = tpu.memref_slice %arg10[%dma_start3A_355, %dma_start3A_362, %dma_start3A_363] : memref<2x128x128xf32, #tpu.memory_space<vmem>> -> memref<1x128x128xf32, #tpu.memory_space<vmem>>
        %dma_start3A_365 = tpu.memref_squeeze %dma_start3A_364 : memref<1x128x128xf32, #tpu.memory_space<vmem>> -> memref<128x128xf32, #tpu.memory_space<vmem>>
        %dma_start3A_366 = arith.constant 0 : i32
        %dma_start3A_367 = tpu.memref_slice %arg5[%mul3A_315, %dma_start3A_366] : memref<61440x128xf32, #tpu.memory_space<hbm>> -> memref<128x128xf32, #tpu.memory_space<hbm>>
        tpu.enqueue_dma source(%dma_start3A_367 : memref<128x128xf32, #tpu.memory_space<hbm>>) target(%dma_start3A_365 : memref<128x128xf32, #tpu.memory_space<vmem>>) target_semaphore(%arg12 : memref<!tpu.dma_semaphore, #tpu.memory_space<semaphore_mem>>)
      } else {
      }
      %add3A_240 = arith.constant 1 : i32
      %add3A_241 = arith.addi %mul3A_112, %add3A_240 : i32
      %mul3A_242 = arith.constant 32 : i32
      %mul3A_243 = arith.muli %add3A_241, %mul3A_242 : i32
      %add3A_244 = arith.addi %mul3A_2, %mul3A_243 : i32
      %mul3A_245 = arith.constant 4 : i32
      %mul3A_246 = arith.muli %mul3A_245, %add3A_244 : i32
      %mul3A_247 = arith.constant 4 : i32
      %mul3A_248 = arith.muli %mul3A_247, %add3A_244 : i32
      %dma_wait3A_249 = arith.constant 1 : i32
      %dma_wait3A_250 = arith.constant 0 : i32
      %dma_wait3A_251 = arith.constant 0 : i32
      %dma_wait3A_252 = tpu.memref_slice %arg7[%dma_wait3A_249, %dma_wait3A_250, %dma_wait3A_251] : memref<2x32x128xf32, #tpu.memory_space<vmem>> -> memref<1x32x128xf32, #tpu.memory_space<vmem>>
      %dma_wait3A_253 = tpu.memref_squeeze %dma_wait3A_252 : memref<1x32x128xf32, #tpu.memory_space<vmem>> -> memref<32x128xf32, #tpu.memory_space<vmem>>
      %dma_wait3A_254 = arith.constant 0 : i32
      %dma_wait3A_255 = tpu.memref_slice %arg2[%add3A_244, %dma_wait3A_254] : memref<15360x128xf32, #tpu.memory_space<hbm>> -> memref<32x128xf32, #tpu.memory_space<hbm>>
      %dma_wait3A_256 = arith.constant 0 : i32
      %dma_wait3A_257 = arith.constant 0 : i32
      %dma_wait3A_258 = tpu.memref_slice %arg7[%dma_wait3A_249, %dma_wait3A_256, %dma_wait3A_257] : memref<2x32x128xf32, #tpu.memory_space<vmem>> -> memref<1x32x128xf32, #tpu.memory_space<vmem>>
      %dma_wait3A_259 = tpu.memref_squeeze %dma_wait3A_258 : memref<1x32x128xf32, #tpu.memory_space<vmem>> -> memref<32x128xf32, #tpu.memory_space<vmem>>
      %dma_wait3A_260 = arith.constant 0 : i32
      %dma_wait3A_261 = tpu.memref_slice %arg2[%add3A_244, %dma_wait3A_260] : memref<15360x128xf32, #tpu.memory_space<hbm>> -> memref<32x128xf32, #tpu.memory_space<hbm>>
      tpu.wait_dma2 semaphore(%arg13 : memref<!tpu.dma_semaphore, #tpu.memory_space<semaphore_mem>>) src(%dma_wait3A_261 : memref<32x128xf32, #tpu.memory_space<hbm>>) dst(%dma_wait3A_259 : memref<32x128xf32, #tpu.memory_space<vmem>>)
      %dma_wait3A_262 = arith.constant 1 : i32
      %dma_wait3A_263 = arith.constant 0 : i32
      %dma_wait3A_264 = arith.constant 0 : i32
      %dma_wait3A_265 = tpu.memref_slice %arg8[%dma_wait3A_262, %dma_wait3A_263, %dma_wait3A_264] : memref<2x32x128xi32, #tpu.memory_space<vmem>> -> memref<1x32x128xi32, #tpu.memory_space<vmem>>
      %dma_wait3A_266 = tpu.memref_squeeze %dma_wait3A_265 : memref<1x32x128xi32, #tpu.memory_space<vmem>> -> memref<32x128xi32, #tpu.memory_space<vmem>>
      %dma_wait3A_267 = arith.constant 0 : i32
      %dma_wait3A_268 = tpu.memref_slice %arg3[%add3A_244, %dma_wait3A_267] : memref<15360x128xi32, #tpu.memory_space<hbm>> -> memref<32x128xi32, #tpu.memory_space<hbm>>
      %dma_wait3A_269 = arith.constant 0 : i32
      %dma_wait3A_270 = arith.constant 0 : i32
      %dma_wait3A_271 = tpu.memref_slice %arg8[%dma_wait3A_262, %dma_wait3A_269, %dma_wait3A_270] : memref<2x32x128xi32, #tpu.memory_space<vmem>> -> memref<1x32x128xi32, #tpu.memory_space<vmem>>
      %dma_wait3A_272 = tpu.memref_squeeze %dma_wait3A_271 : memref<1x32x128xi32, #tpu.memory_space<vmem>> -> memref<32x128xi32, #tpu.memory_space<vmem>>
      %dma_wait3A_273 = arith.constant 0 : i32
      %dma_wait3A_274 = tpu.memref_slice %arg3[%add3A_244, %dma_wait3A_273] : memref<15360x128xi32, #tpu.memory_space<hbm>> -> memref<32x128xi32, #tpu.memory_space<hbm>>
      tpu.wait_dma2 semaphore(%arg13 : memref<!tpu.dma_semaphore, #tpu.memory_space<semaphore_mem>>) src(%dma_wait3A_274 : memref<32x128xi32, #tpu.memory_space<hbm>>) dst(%dma_wait3A_272 : memref<32x128xi32, #tpu.memory_space<vmem>>)
      %dma_wait3A_275 = arith.constant 1 : i32
      %dma_wait3A_276 = arith.constant 0 : i32
      %dma_wait3A_277 = arith.constant 0 : i32
      %dma_wait3A_278 = tpu.memref_slice %arg9[%dma_wait3A_275, %dma_wait3A_276, %dma_wait3A_277] : memref<2x128x128xf32, #tpu.memory_space<vmem>> -> memref<1x128x128xf32, #tpu.memory_space<vmem>>
      %dma_wait3A_279 = tpu.memref_squeeze %dma_wait3A_278 : memref<1x128x128xf32, #tpu.memory_space<vmem>> -> memref<128x128xf32, #tpu.memory_space<vmem>>
      %dma_wait3A_280 = arith.constant 0 : i32
      %dma_wait3A_281 = tpu.memref_slice %arg4[%mul3A_246, %dma_wait3A_280] : memref<61440x128xf32, #tpu.memory_space<hbm>> -> memref<128x128xf32, #tpu.memory_space<hbm>>
      %dma_wait3A_282 = arith.constant 0 : i32
      %dma_wait3A_283 = arith.constant 0 : i32
      %dma_wait3A_284 = tpu.memref_slice %arg9[%dma_wait3A_275, %dma_wait3A_282, %dma_wait3A_283] : memref<2x128x128xf32, #tpu.memory_space<vmem>> -> memref<1x128x128xf32, #tpu.memory_space<vmem>>
      %dma_wait3A_285 = tpu.memref_squeeze %dma_wait3A_284 : memref<1x128x128xf32, #tpu.memory_space<vmem>> -> memref<128x128xf32, #tpu.memory_space<vmem>>
      %dma_wait3A_286 = arith.constant 0 : i32
      %dma_wait3A_287 = tpu.memref_slice %arg4[%mul3A_246, %dma_wait3A_286] : memref<61440x128xf32, #tpu.memory_space<hbm>> -> memref<128x128xf32, #tpu.memory_space<hbm>>
      tpu.wait_dma2 semaphore(%arg13 : memref<!tpu.dma_semaphore, #tpu.memory_space<semaphore_mem>>) src(%dma_wait3A_287 : memref<128x128xf32, #tpu.memory_space<hbm>>) dst(%dma_wait3A_285 : memref<128x128xf32, #tpu.memory_space<vmem>>)
      %dma_wait3A_288 = arith.constant 1 : i32
      %dma_wait3A_289 = arith.constant 0 : i32
      %dma_wait3A_290 = arith.constant 0 : i32
      %dma_wait3A_291 = tpu.memref_slice %arg10[%dma_wait3A_288, %dma_wait3A_289, %dma_wait3A_290] : memref<2x128x128xf32, #tpu.memory_space<vmem>> -> memref<1x128x128xf32, #tpu.memory_space<vmem>>
      %dma_wait3A_292 = tpu.memref_squeeze %dma_wait3A_291 : memref<1x128x128xf32, #tpu.memory_space<vmem>> -> memref<128x128xf32, #tpu.memory_space<vmem>>
      %dma_wait3A_293 = arith.constant 0 : i32
      %dma_wait3A_294 = tpu.memref_slice %arg5[%mul3A_248, %dma_wait3A_293] : memref<61440x128xf32, #tpu.memory_space<hbm>> -> memref<128x128xf32, #tpu.memory_space<hbm>>
      %dma_wait3A_295 = arith.constant 0 : i32
      %dma_wait3A_296 = arith.constant 0 : i32
      %dma_wait3A_297 = tpu.memref_slice %arg10[%dma_wait3A_288, %dma_wait3A_295, %dma_wait3A_296] : memref<2x128x128xf32, #tpu.memory_space<vmem>> -> memref<1x128x128xf32, #tpu.memory_space<vmem>>
      %dma_wait3A_298 = tpu.memref_squeeze %dma_wait3A_297 : memref<1x128x128xf32, #tpu.memory_space<vmem>> -> memref<128x128xf32, #tpu.memory_space<vmem>>
      %dma_wait3A_299 = arith.constant 0 : i32
      %dma_wait3A_300 = tpu.memref_slice %arg5[%mul3A_248, %dma_wait3A_299] : memref<61440x128xf32, #tpu.memory_space<hbm>> -> memref<128x128xf32, #tpu.memory_space<hbm>>
      tpu.wait_dma2 semaphore(%arg13 : memref<!tpu.dma_semaphore, #tpu.memory_space<semaphore_mem>>) src(%dma_wait3A_300 : memref<128x128xf32, #tpu.memory_space<hbm>>) dst(%dma_wait3A_298 : memref<128x128xf32, #tpu.memory_space<vmem>>)
      %scan3A_301 = arith.constant 0 : i32
      %scan3A_302 = arith.constant 256 : i32
      %scan3A_303 = arith.addi %scan3A_301, %scan3A_302 : i32
      %scan3A_304 = arith.constant 1 : i32
      %scan3A_305:3 = scf.for %scan3A_307 = %scan3A_301 to %scan3A_303 step %scan3A_304 iter_args(%scan3A_308 = %scan3A_236#0, %scan3A_309 = %scan3A_236#1, %scan3A_310 = %scan3A_236#2) -> (vector<16xf32>, vector<16xf32>, vector<16xf32>)  : i32 {
        %shift_right_logical3A = arith.constant 3 : i32
        %shift_right_logical3A_311 = arith.shrui %scan3A_307, %shift_right_logical3A : i32
        %rem3A = arith.constant 8 : i32
        %rem3A_312 = arith.remsi %scan3A_307, %rem3A : i32
        %shift_left3A = arith.constant 4 : i32
        %shift_left3A_313 = arith.shli %rem3A_312, %shift_left3A : i32
        %get3A = arith.constant 1 : i32
        %get3A_314 = arith.constant 0 : i32
        %get3A_315 = arith.constant 0 : i32
        %get3A_316 = tpu.memref_slice %arg7[%get3A, %get3A_314, %get3A_315] : memref<2x32x128xf32, #tpu.memory_space<vmem>> -> memref<1x32x128xf32, #tpu.memory_space<vmem>>
        %get3A_317 = tpu.memref_squeeze %get3A_316 : memref<1x32x128xf32, #tpu.memory_space<vmem>> -> memref<32x128xf32, #tpu.memory_space<vmem>>
        %get3A_318 = arith.index_cast %shift_right_logical3A_311 : i32 to index
        %get3A_319 = arith.index_cast %shift_left3A_313 : i32 to index
        %get3A_320 = tpu.vector_load %get3A_317[%get3A_318, %get3A_319] {strides = array<i32>} : memref<32x128xf32, #tpu.memory_space<vmem>>, vector<1x16xf32>,
        %get3A_321 = vector.shape_cast %get3A_320 : vector<1x16xf32> to vector<16xf32>
        %get3A_322 = arith.constant 1 : i32
        %get3A_323 = arith.constant 0 : i32
        %get3A_324 = arith.constant 0 : i32
        %get3A_325 = tpu.memref_slice %arg8[%get3A_322, %get3A_323, %get3A_324] : memref<2x32x128xi32, #tpu.memory_space<vmem>> -> memref<1x32x128xi32, #tpu.memory_space<vmem>>
        %get3A_326 = tpu.memref_squeeze %get3A_325 : memref<1x32x128xi32, #tpu.memory_space<vmem>> -> memref<32x128xi32, #tpu.memory_space<vmem>>
        %get3A_327 = arith.index_cast %shift_right_logical3A_311 : i32 to index
        %get3A_328 = arith.index_cast %shift_left3A_313 : i32 to index
        %get3A_329 = tpu.vector_load %get3A_326[%get3A_327, %get3A_328] {strides = array<i32>} : memref<32x128xi32, #tpu.memory_space<vmem>>, vector<1x16xi32>,
        %get3A_330 = vector.shape_cast %get3A_329 : vector<1x16xi32> to vector<16xi32>
        %broadcast_in_dim3A_331 = arith.constant 1.000000e+00 : f32
        %broadcast_in_dim3A_332 = vector.broadcast %broadcast_in_dim3A_331 : f32 to vector<16xf32>
        %broadcast_in_dim3A_333 = arith.constant 0.000000e+00 : f32
        %broadcast_in_dim3A_334 = vector.broadcast %broadcast_in_dim3A_333 : f32 to vector<16xf32>
        %broadcast_in_dim3A_335 = arith.constant 1 : i32
        %broadcast_in_dim3A_336 = vector.broadcast %broadcast_in_dim3A_335 : i32 to vector<16xi32>
        %eq3A = arith.cmpi eq, %get3A_330, %broadcast_in_dim3A_336 : vector<16xi32>
        %select_n3A = arith.select %eq3A, %broadcast_in_dim3A_332, %broadcast_in_dim3A_334 : vector<16xi1>, vector<16xf32>
        %broadcast_in_dim3A_337 = arith.constant 2 : i32
        %broadcast_in_dim3A_338 = vector.broadcast %broadcast_in_dim3A_337 : i32 to vector<16xi32>
        %ne3A = arith.cmpi ne, %get3A_330, %broadcast_in_dim3A_338 : vector<16xi32>
        %select_n3A_339 = arith.select %ne3A, %broadcast_in_dim3A_332, %broadcast_in_dim3A_334 : vector<16xi1>, vector<16xf32>
        %abs3A = math.absf %get3A_321 : vector<16xf32>
        %sub3A = arith.subf %broadcast_in_dim3A_334, %abs3A : vector<16xf32>
        %exp3A = math.exp %sub3A : vector<16xf32>
        %broadcast_in_dim3A_340 = arith.constant 2.000000e+00 : f32
        %broadcast_in_dim3A_341 = vector.broadcast %broadcast_in_dim3A_340 : f32 to vector<16xf32>
        %add3A_342 = arith.addf %broadcast_in_dim3A_341, %exp3A : vector<16xf32>
        %div3A = arith.divf %exp3A, %add3A_342 : vector<16xf32>
        %mul3A_343 = arith.mulf %div3A, %div3A : vector<16xf32>
        %broadcast_in_dim3A_344 = arith.constant 2.000000e+00 : f32
        %broadcast_in_dim3A_345 = vector.broadcast %broadcast_in_dim3A_344 : f32 to vector<16xf32>
        %mul3A_346 = arith.mulf %broadcast_in_dim3A_345, %div3A : vector<16xf32>
        %broadcast_in_dim3A_347 = arith.constant 0.333333343 : f32
        %broadcast_in_dim3A_348 = vector.broadcast %broadcast_in_dim3A_347 : f32 to vector<16xf32>
        %broadcast_in_dim3A_349 = arith.constant 2.000000e-01 : f32
        %broadcast_in_dim3A_350 = vector.broadcast %broadcast_in_dim3A_349 : f32 to vector<16xf32>
        %broadcast_in_dim3A_351 = arith.constant 0.142857149 : f32
        %broadcast_in_dim3A_352 = vector.broadcast %broadcast_in_dim3A_351 : f32 to vector<16xf32>
        %broadcast_in_dim3A_353 = arith.constant 0.111111112 : f32
        %broadcast_in_dim3A_354 = vector.broadcast %broadcast_in_dim3A_353 : f32 to vector<16xf32>
        %mul3A_355 = arith.mulf %mul3A_343, %broadcast_in_dim3A_354 : vector<16xf32>
        %add3A_356 = arith.addf %broadcast_in_dim3A_352, %mul3A_355 : vector<16xf32>
        %mul3A_357 = arith.mulf %mul3A_343, %add3A_356 : vector<16xf32>
        %add3A_358 = arith.addf %broadcast_in_dim3A_350, %mul3A_357 : vector<16xf32>
        %mul3A_359 = arith.mulf %mul3A_343, %add3A_358 : vector<16xf32>
        %add3A_360 = arith.addf %broadcast_in_dim3A_348, %mul3A_359 : vector<16xf32>
        %mul3A_361 = arith.mulf %mul3A_343, %add3A_360 : vector<16xf32>
        %add3A_362 = arith.addf %broadcast_in_dim3A_332, %mul3A_361 : vector<16xf32>
        %mul3A_363 = arith.mulf %mul3A_346, %add3A_362 : vector<16xf32>
        %max3A = arith.maximumf %get3A_321, %broadcast_in_dim3A_334 : vector<16xf32>
        %mul3A_364 = arith.mulf %get3A_321, %select_n3A : vector<16xf32>
        %sub3A_365 = arith.subf %max3A, %mul3A_364 : vector<16xf32>
        %add3A_366 = arith.addf %sub3A_365, %mul3A_363 : vector<16xf32>
        %mul3A_367 = arith.mulf %add3A_366, %select_n3A_339 : vector<16xf32>
        %add3A_368 = arith.addf %scan3A_308, %mul3A_367 : vector<16xf32>
        %add3A_369 = arith.addf %scan3A_310, %select_n3A_339 : vector<16xf32>
        %shift_left3A_370 = arith.constant 2 : i32
        %shift_left3A_371 = arith.shli %shift_right_logical3A_311, %shift_left3A_370 : i32
        %add3A_372 = arith.constant 0 : i32
        %add3A_373 = arith.addi %shift_left3A_371, %add3A_372 : i32
        %get3A_374 = arith.constant 1 : i32
        %get3A_375 = arith.constant 0 : i32
        %get3A_376 = arith.constant 0 : i32
        %get3A_377 = tpu.memref_slice %arg9[%get3A_374, %get3A_375, %get3A_376] : memref<2x128x128xf32, #tpu.memory_space<vmem>> -> memref<1x128x128xf32, #tpu.memory_space<vmem>>
        %get3A_378 = tpu.memref_squeeze %get3A_377 : memref<1x128x128xf32, #tpu.memory_space<vmem>> -> memref<128x128xf32, #tpu.memory_space<vmem>>
        %get3A_379 = arith.index_cast %add3A_373 : i32 to index
        %get3A_380 = arith.index_cast %shift_left3A_313 : i32 to index
        %get3A_381 = tpu.vector_load %get3A_378[%get3A_379, %get3A_380] {strides = array<i32>} : memref<128x128xf32, #tpu.memory_space<vmem>>, vector<1x16xf32>,
        %get3A_382 = vector.shape_cast %get3A_381 : vector<1x16xf32> to vector<16xf32>
        %add3A_383 = arith.constant 0 : i32
        %add3A_384 = arith.addi %shift_left3A_371, %add3A_383 : i32
        %get3A_385 = arith.constant 1 : i32
        %get3A_386 = arith.constant 0 : i32
        %get3A_387 = arith.constant 0 : i32
        %get3A_388 = tpu.memref_slice %arg10[%get3A_385, %get3A_386, %get3A_387] : memref<2x128x128xf32, #tpu.memory_space<vmem>> -> memref<1x128x128xf32, #tpu.memory_space<vmem>>
        %get3A_389 = tpu.memref_squeeze %get3A_388 : memref<1x128x128xf32, #tpu.memory_space<vmem>> -> memref<128x128xf32, #tpu.memory_space<vmem>>
        %get3A_390 = arith.index_cast %add3A_384 : i32 to index
        %get3A_391 = arith.index_cast %shift_left3A_313 : i32 to index
        %get3A_392 = tpu.vector_load %get3A_389[%get3A_390, %get3A_391] {strides = array<i32>} : memref<128x128xf32, #tpu.memory_space<vmem>>, vector<1x16xf32>,
        %get3A_393 = vector.shape_cast %get3A_392 : vector<1x16xf32> to vector<16xf32>
        %sub3A_394 = arith.subf %get3A_382, %get3A_393 : vector<16xf32>
        %abs3A_395 = math.absf %sub3A_394 : vector<16xf32>
        %broadcast_in_dim3A_396 = arith.constant 0.111111112 : f32
        %broadcast_in_dim3A_397 = vector.broadcast %broadcast_in_dim3A_396 : f32 to vector<16xf32>
        %lt3A_398 = arith.cmpf olt, %abs3A_395, %broadcast_in_dim3A_397 : vector<16xf32>
        %broadcast_in_dim3A_399 = arith.constant 4.500000e+00 : f32
        %broadcast_in_dim3A_400 = vector.broadcast %broadcast_in_dim3A_399 : f32 to vector<16xf32>
        %mul3A_401 = arith.mulf %broadcast_in_dim3A_400, %sub3A_394 : vector<16xf32>
        %mul3A_402 = arith.mulf %mul3A_401, %sub3A_394 : vector<16xf32>
        %broadcast_in_dim3A_403 = arith.constant 0.055555556 : f32
        %broadcast_in_dim3A_404 = vector.broadcast %broadcast_in_dim3A_403 : f32 to vector<16xf32>
        %sub3A_405 = arith.subf %abs3A_395, %broadcast_in_dim3A_404 : vector<16xf32>
        %select_n3A_406 = arith.select %lt3A_398, %mul3A_402, %sub3A_405 : vector<16xi1>, vector<16xf32>
        %mul3A_407 = arith.mulf %select_n3A_406, %select_n3A : vector<16xf32>
        %add3A_408 = arith.addf %scan3A_309, %mul3A_407 : vector<16xf32>
        %add3A_409 = arith.constant 1 : i32
        %add3A_410 = arith.addi %shift_left3A_371, %add3A_409 : i32
        %get3A_411 = arith.constant 1 : i32
        %get3A_412 = arith.constant 0 : i32
        %get3A_413 = arith.constant 0 : i32
        %get3A_414 = tpu.memref_slice %arg9[%get3A_411, %get3A_412, %get3A_413] : memref<2x128x128xf32, #tpu.memory_space<vmem>> -> memref<1x128x128xf32, #tpu.memory_space<vmem>>
        %get3A_415 = tpu.memref_squeeze %get3A_414 : memref<1x128x128xf32, #tpu.memory_space<vmem>> -> memref<128x128xf32, #tpu.memory_space<vmem>>
        %get3A_416 = arith.index_cast %add3A_410 : i32 to index
        %get3A_417 = arith.index_cast %shift_left3A_313 : i32 to index
        %get3A_418 = tpu.vector_load %get3A_415[%get3A_416, %get3A_417] {strides = array<i32>} : memref<128x128xf32, #tpu.memory_space<vmem>>, vector<1x16xf32>,
        %get3A_419 = vector.shape_cast %get3A_418 : vector<1x16xf32> to vector<16xf32>
        %add3A_420 = arith.constant 1 : i32
        %add3A_421 = arith.addi %shift_left3A_371, %add3A_420 : i32
        %get3A_422 = arith.constant 1 : i32
        %get3A_423 = arith.constant 0 : i32
        %get3A_424 = arith.constant 0 : i32
        %get3A_425 = tpu.memref_slice %arg10[%get3A_422, %get3A_423, %get3A_424] : memref<2x128x128xf32, #tpu.memory_space<vmem>> -> memref<1x128x128xf32, #tpu.memory_space<vmem>>
        %get3A_426 = tpu.memref_squeeze %get3A_425 : memref<1x128x128xf32, #tpu.memory_space<vmem>> -> memref<128x128xf32, #tpu.memory_space<vmem>>
        %get3A_427 = arith.index_cast %add3A_421 : i32 to index
        %get3A_428 = arith.index_cast %shift_left3A_313 : i32 to index
        %get3A_429 = tpu.vector_load %get3A_426[%get3A_427, %get3A_428] {strides = array<i32>} : memref<128x128xf32, #tpu.memory_space<vmem>>, vector<1x16xf32>,
        %get3A_430 = vector.shape_cast %get3A_429 : vector<1x16xf32> to vector<16xf32>
        %sub3A_431 = arith.subf %get3A_419, %get3A_430 : vector<16xf32>
        %abs3A_432 = math.absf %sub3A_431 : vector<16xf32>
        %broadcast_in_dim3A_433 = arith.constant 0.111111112 : f32
        %broadcast_in_dim3A_434 = vector.broadcast %broadcast_in_dim3A_433 : f32 to vector<16xf32>
        %lt3A_435 = arith.cmpf olt, %abs3A_432, %broadcast_in_dim3A_434 : vector<16xf32>
        %broadcast_in_dim3A_436 = arith.constant 4.500000e+00 : f32
        %broadcast_in_dim3A_437 = vector.broadcast %broadcast_in_dim3A_436 : f32 to vector<16xf32>
        %mul3A_438 = arith.mulf %broadcast_in_dim3A_437, %sub3A_431 : vector<16xf32>
        %mul3A_439 = arith.mulf %mul3A_438, %sub3A_431 : vector<16xf32>
        %broadcast_in_dim3A_440 = arith.constant 0.055555556 : f32
        %broadcast_in_dim3A_441 = vector.broadcast %broadcast_in_dim3A_440 : f32 to vector<16xf32>
        %sub3A_442 = arith.subf %abs3A_432, %broadcast_in_dim3A_441 : vector<16xf32>
        %select_n3A_443 = arith.select %lt3A_435, %mul3A_439, %sub3A_442 : vector<16xi1>, vector<16xf32>
        %mul3A_444 = arith.mulf %select_n3A_443, %select_n3A : vector<16xf32>
        %add3A_445 = arith.addf %add3A_408, %mul3A_444 : vector<16xf32>
        %add3A_446 = arith.constant 2 : i32
        %add3A_447 = arith.addi %shift_left3A_371, %add3A_446 : i32
        %get3A_448 = arith.constant 1 : i32
        %get3A_449 = arith.constant 0 : i32
        %get3A_450 = arith.constant 0 : i32
        %get3A_451 = tpu.memref_slice %arg9[%get3A_448, %get3A_449, %get3A_450] : memref<2x128x128xf32, #tpu.memory_space<vmem>> -> memref<1x128x128xf32, #tpu.memory_space<vmem>>
        %get3A_452 = tpu.memref_squeeze %get3A_451 : memref<1x128x128xf32, #tpu.memory_space<vmem>> -> memref<128x128xf32, #tpu.memory_space<vmem>>
        %get3A_453 = arith.index_cast %add3A_447 : i32 to index
        %get3A_454 = arith.index_cast %shift_left3A_313 : i32 to index
        %get3A_455 = tpu.vector_load %get3A_452[%get3A_453, %get3A_454] {strides = array<i32>} : memref<128x128xf32, #tpu.memory_space<vmem>>, vector<1x16xf32>,
        %get3A_456 = vector.shape_cast %get3A_455 : vector<1x16xf32> to vector<16xf32>
        %add3A_457 = arith.constant 2 : i32
        %add3A_458 = arith.addi %shift_left3A_371, %add3A_457 : i32
        %get3A_459 = arith.constant 1 : i32
        %get3A_460 = arith.constant 0 : i32
        %get3A_461 = arith.constant 0 : i32
        %get3A_462 = tpu.memref_slice %arg10[%get3A_459, %get3A_460, %get3A_461] : memref<2x128x128xf32, #tpu.memory_space<vmem>> -> memref<1x128x128xf32, #tpu.memory_space<vmem>>
        %get3A_463 = tpu.memref_squeeze %get3A_462 : memref<1x128x128xf32, #tpu.memory_space<vmem>> -> memref<128x128xf32, #tpu.memory_space<vmem>>
        %get3A_464 = arith.index_cast %add3A_458 : i32 to index
        %get3A_465 = arith.index_cast %shift_left3A_313 : i32 to index
        %get3A_466 = tpu.vector_load %get3A_463[%get3A_464, %get3A_465] {strides = array<i32>} : memref<128x128xf32, #tpu.memory_space<vmem>>, vector<1x16xf32>,
        %get3A_467 = vector.shape_cast %get3A_466 : vector<1x16xf32> to vector<16xf32>
        %sub3A_468 = arith.subf %get3A_456, %get3A_467 : vector<16xf32>
        %abs3A_469 = math.absf %sub3A_468 : vector<16xf32>
        %broadcast_in_dim3A_470 = arith.constant 0.111111112 : f32
        %broadcast_in_dim3A_471 = vector.broadcast %broadcast_in_dim3A_470 : f32 to vector<16xf32>
        %lt3A_472 = arith.cmpf olt, %abs3A_469, %broadcast_in_dim3A_471 : vector<16xf32>
        %broadcast_in_dim3A_473 = arith.constant 4.500000e+00 : f32
        %broadcast_in_dim3A_474 = vector.broadcast %broadcast_in_dim3A_473 : f32 to vector<16xf32>
        %mul3A_475 = arith.mulf %broadcast_in_dim3A_474, %sub3A_468 : vector<16xf32>
        %mul3A_476 = arith.mulf %mul3A_475, %sub3A_468 : vector<16xf32>
        %broadcast_in_dim3A_477 = arith.constant 0.055555556 : f32
        %broadcast_in_dim3A_478 = vector.broadcast %broadcast_in_dim3A_477 : f32 to vector<16xf32>
        %sub3A_479 = arith.subf %abs3A_469, %broadcast_in_dim3A_478 : vector<16xf32>
        %select_n3A_480 = arith.select %lt3A_472, %mul3A_476, %sub3A_479 : vector<16xi1>, vector<16xf32>
        %mul3A_481 = arith.mulf %select_n3A_480, %select_n3A : vector<16xf32>
        %add3A_482 = arith.addf %add3A_445, %mul3A_481 : vector<16xf32>
        %add3A_483 = arith.constant 3 : i32
        %add3A_484 = arith.addi %shift_left3A_371, %add3A_483 : i32
        %get3A_485 = arith.constant 1 : i32
        %get3A_486 = arith.constant 0 : i32
        %get3A_487 = arith.constant 0 : i32
        %get3A_488 = tpu.memref_slice %arg9[%get3A_485, %get3A_486, %get3A_487] : memref<2x128x128xf32, #tpu.memory_space<vmem>> -> memref<1x128x128xf32, #tpu.memory_space<vmem>>
        %get3A_489 = tpu.memref_squeeze %get3A_488 : memref<1x128x128xf32, #tpu.memory_space<vmem>> -> memref<128x128xf32, #tpu.memory_space<vmem>>
        %get3A_490 = arith.index_cast %add3A_484 : i32 to index
        %get3A_491 = arith.index_cast %shift_left3A_313 : i32 to index
        %get3A_492 = tpu.vector_load %get3A_489[%get3A_490, %get3A_491] {strides = array<i32>} : memref<128x128xf32, #tpu.memory_space<vmem>>, vector<1x16xf32>,
        %get3A_493 = vector.shape_cast %get3A_492 : vector<1x16xf32> to vector<16xf32>
        %add3A_494 = arith.constant 3 : i32
        %add3A_495 = arith.addi %shift_left3A_371, %add3A_494 : i32
        %get3A_496 = arith.constant 1 : i32
        %get3A_497 = arith.constant 0 : i32
        %get3A_498 = arith.constant 0 : i32
        %get3A_499 = tpu.memref_slice %arg10[%get3A_496, %get3A_497, %get3A_498] : memref<2x128x128xf32, #tpu.memory_space<vmem>> -> memref<1x128x128xf32, #tpu.memory_space<vmem>>
        %get3A_500 = tpu.memref_squeeze %get3A_499 : memref<1x128x128xf32, #tpu.memory_space<vmem>> -> memref<128x128xf32, #tpu.memory_space<vmem>>
        %get3A_501 = arith.index_cast %add3A_495 : i32 to index
        %get3A_502 = arith.index_cast %shift_left3A_313 : i32 to index
        %get3A_503 = tpu.vector_load %get3A_500[%get3A_501, %get3A_502] {strides = array<i32>} : memref<128x128xf32, #tpu.memory_space<vmem>>, vector<1x16xf32>,
        %get3A_504 = vector.shape_cast %get3A_503 : vector<1x16xf32> to vector<16xf32>
        %sub3A_505 = arith.subf %get3A_493, %get3A_504 : vector<16xf32>
        %abs3A_506 = math.absf %sub3A_505 : vector<16xf32>
        %broadcast_in_dim3A_507 = arith.constant 0.111111112 : f32
        %broadcast_in_dim3A_508 = vector.broadcast %broadcast_in_dim3A_507 : f32 to vector<16xf32>
        %lt3A_509 = arith.cmpf olt, %abs3A_506, %broadcast_in_dim3A_508 : vector<16xf32>
        %broadcast_in_dim3A_510 = arith.constant 4.500000e+00 : f32
        %broadcast_in_dim3A_511 = vector.broadcast %broadcast_in_dim3A_510 : f32 to vector<16xf32>
        %mul3A_512 = arith.mulf %broadcast_in_dim3A_511, %sub3A_505 : vector<16xf32>
        %mul3A_513 = arith.mulf %mul3A_512, %sub3A_505 : vector<16xf32>
        %broadcast_in_dim3A_514 = arith.constant 0.055555556 : f32
        %broadcast_in_dim3A_515 = vector.broadcast %broadcast_in_dim3A_514 : f32 to vector<16xf32>
        %sub3A_516 = arith.subf %abs3A_506, %broadcast_in_dim3A_515 : vector<16xf32>
        %select_n3A_517 = arith.select %lt3A_509, %mul3A_513, %sub3A_516 : vector<16xi1>, vector<16xf32>
        %mul3A_518 = arith.mulf %select_n3A_517, %select_n3A : vector<16xf32>
        %add3A_519 = arith.addf %add3A_482, %mul3A_518 : vector<16xf32>
        scf.yield %add3A_368, %add3A_519, %add3A_369 : vector<16xf32>, vector<16xf32>, vector<16xf32>
      }
      %scan3A_306 = arith.constant 256 : i32
      scf.yield %scan3A_305#0, %scan3A_305#1, %scan3A_305#2 : vector<16xf32>, vector<16xf32>, vector<16xf32>
    }
    %scan3A_65 = arith.constant 3 : i32
    %swap3A = arith.constant 0 : index
    %swap3A_66 = tpu.vector_load %arg11[%swap3A] {strides = array<i32>} : memref<128xf32, #tpu.memory_space<vmem>>, vector<16xf32>,
    %swap3A_67 = vector.shape_cast %swap3A_66 : vector<16xf32> to vector<16xf32>
    %swap3A_68 = vector.shape_cast %scan3A_64#0 : vector<16xf32> to vector<16xf32>
    tpu.vector_store %arg11[%swap3A], %swap3A_68 {strides = array<i32>} : memref<128xf32, #tpu.memory_space<vmem>>, vector<16xf32>,
    %swap3A_69 = arith.constant 16 : index
    %swap3A_70 = tpu.vector_load %arg11[%swap3A_69] {strides = array<i32>} : memref<128xf32, #tpu.memory_space<vmem>>, vector<16xf32>,
    %swap3A_71 = vector.shape_cast %swap3A_70 : vector<16xf32> to vector<16xf32>
    %swap3A_72 = vector.shape_cast %scan3A_64#1 : vector<16xf32> to vector<16xf32>
    tpu.vector_store %arg11[%swap3A_69], %swap3A_72 {strides = array<i32>} : memref<128xf32, #tpu.memory_space<vmem>>, vector<16xf32>,
    %swap3A_73 = arith.constant 32 : index
    %swap3A_74 = tpu.vector_load %arg11[%swap3A_73] {strides = array<i32>} : memref<128xf32, #tpu.memory_space<vmem>>, vector<16xf32>,
    %swap3A_75 = vector.shape_cast %swap3A_74 : vector<16xf32> to vector<16xf32>
    %swap3A_76 = vector.shape_cast %scan3A_64#2 : vector<16xf32> to vector<16xf32>
    tpu.vector_store %arg11[%swap3A_73], %swap3A_76 {strides = array<i32>} : memref<128xf32, #tpu.memory_space<vmem>>, vector<16xf32>,
    %broadcast_in_dim3A_77 = arith.constant 0.000000e+00 : f32
    %broadcast_in_dim3A_78 = vector.broadcast %broadcast_in_dim3A_77 : f32 to vector<16xf32>
    %swap3A_79 = arith.constant 48 : index
    %swap3A_80 = tpu.vector_load %arg11[%swap3A_79] {strides = array<i32>} : memref<128xf32, #tpu.memory_space<vmem>>, vector<16xf32>,
    %swap3A_81 = vector.shape_cast %swap3A_80 : vector<16xf32> to vector<16xf32>
    %swap3A_82 = vector.shape_cast %broadcast_in_dim3A_78 : vector<16xf32> to vector<16xf32>
    tpu.vector_store %arg11[%swap3A_79], %swap3A_82 {strides = array<i32>} : memref<128xf32, #tpu.memory_space<vmem>>, vector<16xf32>,
    %broadcast_in_dim3A_83 = arith.constant 0.000000e+00 : f32
    %broadcast_in_dim3A_84 = vector.broadcast %broadcast_in_dim3A_83 : f32 to vector<16xf32>
    %swap3A_85 = arith.constant 64 : index
    %swap3A_86 = tpu.vector_load %arg11[%swap3A_85] {strides = array<i32>} : memref<128xf32, #tpu.memory_space<vmem>>, vector<16xf32>,
    %swap3A_87 = vector.shape_cast %swap3A_86 : vector<16xf32> to vector<16xf32>
    %swap3A_88 = vector.shape_cast %broadcast_in_dim3A_84 : vector<16xf32> to vector<16xf32>
    tpu.vector_store %arg11[%swap3A_85], %swap3A_88 {strides = array<i32>} : memref<128xf32, #tpu.memory_space<vmem>>, vector<16xf32>,
    %broadcast_in_dim3A_89 = arith.constant 0.000000e+00 : f32
    %broadcast_in_dim3A_90 = vector.broadcast %broadcast_in_dim3A_89 : f32 to vector<16xf32>
    %swap3A_91 = arith.constant 80 : index
    %swap3A_92 = tpu.vector_load %arg11[%swap3A_91] {strides = array<i32>} : memref<128xf32, #tpu.memory_space<vmem>>, vector<16xf32>,
    %swap3A_93 = vector.shape_cast %swap3A_92 : vector<16xf32> to vector<16xf32>
    %swap3A_94 = vector.shape_cast %broadcast_in_dim3A_90 : vector<16xf32> to vector<16xf32>
    tpu.vector_store %arg11[%swap3A_91], %swap3A_94 {strides = array<i32>} : memref<128xf32, #tpu.memory_space<vmem>>, vector<16xf32>,
    %broadcast_in_dim3A_95 = arith.constant 0.000000e+00 : f32
    %broadcast_in_dim3A_96 = vector.broadcast %broadcast_in_dim3A_95 : f32 to vector<16xf32>
    %swap3A_97 = arith.constant 96 : index
    %swap3A_98 = tpu.vector_load %arg11[%swap3A_97] {strides = array<i32>} : memref<128xf32, #tpu.memory_space<vmem>>, vector<16xf32>,
    %swap3A_99 = vector.shape_cast %swap3A_98 : vector<16xf32> to vector<16xf32>
    %swap3A_100 = vector.shape_cast %broadcast_in_dim3A_96 : vector<16xf32> to vector<16xf32>
    tpu.vector_store %arg11[%swap3A_97], %swap3A_100 {strides = array<i32>} : memref<128xf32, #tpu.memory_space<vmem>>, vector<16xf32>,
    %broadcast_in_dim3A_101 = arith.constant 0.000000e+00 : f32
    %broadcast_in_dim3A_102 = vector.broadcast %broadcast_in_dim3A_101 : f32 to vector<16xf32>
    %swap3A_103 = arith.constant 112 : index
    %swap3A_104 = tpu.vector_load %arg11[%swap3A_103] {strides = array<i32>} : memref<128xf32, #tpu.memory_space<vmem>>, vector<16xf32>,
    %swap3A_105 = vector.shape_cast %swap3A_104 : vector<16xf32> to vector<16xf32>
    %swap3A_106 = vector.shape_cast %broadcast_in_dim3A_102 : vector<16xf32> to vector<16xf32>
    tpu.vector_store %arg11[%swap3A_103], %swap3A_106 {strides = array<i32>} : memref<128xf32, #tpu.memory_space<vmem>>, vector<16xf32>,
    "tpu.region"() ({
      %run_scoped3A = tpu.sem_alloc : memref<!tpu.dma_semaphore, #tpu.memory_space<semaphore_mem>>
      %dma_start3A_107 = arith.constant 0 : i32
      %dma_start3A_108 = tpu.memref_slice %arg6[%add3A, %dma_start3A_107] : memref<32x128xf32, #tpu.memory_space<hbm>> -> memref<1x128xf32, #tpu.memory_space<hbm>>
      %dma_start3A_109 = tpu.memref_squeeze %dma_start3A_108 : memref<1x128xf32, #tpu.memory_space<hbm>> -> memref<128xf32, #tpu.memory_space<hbm>>
      %dma_start3A_110 = arith.constant 0 : i32
      %dma_start3A_111 = tpu.memref_slice %arg6[%add3A, %dma_start3A_110] : memref<32x128xf32, #tpu.memory_space<hbm>> -> memref<1x128xf32, #tpu.memory_space<hbm>>
      %dma_start3A_112 = tpu.memref_squeeze %dma_start3A_111 : memref<1x128xf32, #tpu.memory_space<hbm>> -> memref<128xf32, #tpu.memory_space<hbm>>
      tpu.enqueue_dma source(%arg11 : memref<128xf32, #tpu.memory_space<vmem>>) target(%dma_start3A_112 : memref<128xf32, #tpu.memory_space<hbm>>) target_semaphore(%run_scoped3A : memref<!tpu.dma_semaphore, #tpu.memory_space<semaphore_mem>>)
      %dma_wait3A = arith.constant 0 : i32
      %dma_wait3A_113 = tpu.memref_slice %arg6[%add3A, %dma_wait3A] : memref<32x128xf32, #tpu.memory_space<hbm>> -> memref<1x128xf32, #tpu.memory_space<hbm>>
      %dma_wait3A_114 = tpu.memref_squeeze %dma_wait3A_113 : memref<1x128xf32, #tpu.memory_space<hbm>> -> memref<128xf32, #tpu.memory_space<hbm>>
      %dma_wait3A_115 = arith.constant 0 : i32
      %dma_wait3A_116 = tpu.memref_slice %arg6[%add3A, %dma_wait3A_115] : memref<32x128xf32, #tpu.memory_space<hbm>> -> memref<1x128xf32, #tpu.memory_space<hbm>>
      %dma_wait3A_117 = tpu.memref_squeeze %dma_wait3A_116 : memref<1x128xf32, #tpu.memory_space<hbm>> -> memref<128xf32, #tpu.memory_space<hbm>>
      tpu.wait_dma2 semaphore(%run_scoped3A : memref<!tpu.dma_semaphore, #tpu.memory_space<semaphore_mem>>) src(%arg11 : memref<128xf32, #tpu.memory_space<vmem>>) dst(%dma_wait3A_117 : memref<128xf32, #tpu.memory_space<hbm>>)
      tpu.yield
    }) : () -> ()
    return
  }
}

module attributes {stable_mosaic.version = 14 : i64} {
  func.func @_tc_body(%arg0: i32, %arg1: memref<512x128xf32, #tpu.memory_space<vmem>>, %arg2: memref<512x128xi32, #tpu.memory_space<vmem>>, %arg3: memref<2048x128xf32, #tpu.memory_space<vmem>>, %arg4: memref<2048x128xf32, #tpu.memory_space<vmem>>, %arg5: memref<1x1xf32, #tpu.memory_space<smem>>, %arg6: memref<1x1xf32, #tpu.memory_space<smem>>, %arg7: memref<1x1xf32, #tpu.memory_space<smem>>, %arg8: memref<2048x512xbf16, #tpu.memory_space<vmem>>) attributes {dimension_semantics = [#tpu.dimension_semantics<arbitrary>], iteration_bounds = array<i64: 18>, scalar_prefetch = 0 : i64, scratch_operands = 1 : i64, tpu.core_type = #tpu.core_type<tc>, window_params = [{transform_indices = @transform_0, window_bounds = array<i64: 512, 128>}, {transform_indices = @transform_1, window_bounds = array<i64: 512, 128>}, {transform_indices = @transform_2, window_bounds = array<i64: 2048, 128>}, {transform_indices = @transform_3, window_bounds = array<i64: 2048, 128>}, {transform_indices = @transform_4, window_bounds = array<i64: 1, 1>}, {transform_indices = @transform_5, window_bounds = array<i64: 1, 1>}, {transform_indices = @transform_6, window_bounds = array<i64: 1, 1>}]} {
    %eq3A = arith.constant 0 : i32
    %eq3A_0 = arith.cmpi eq, %arg0, %eq3A : i32
    %convert_element_type3A = arith.extui %eq3A_0 : i1 to i32
    %cond3A = arith.constant 0 : i32
    %cond3A_1 = arith.cmpi ne, %convert_element_type3A, %cond3A : i32
    scf.if %cond3A_1 {
      %iota3A = tpu.iota {dimensions = array<i32: 0>} : vector<2048x512xi32>
      %iota3A_91 = tpu.iota {dimensions = array<i32: 1>} : vector<2048x512xi32>
      %shift_right_logical3A = arith.constant 2 : i32
      %shift_right_logical3A_92 = vector.broadcast %shift_right_logical3A : i32 to vector<2048x512xi32>
      %shift_right_logical3A_93 = arith.shrui %iota3A, %shift_right_logical3A_92 : vector<2048x512xi32>
      %eq3A_94 = arith.cmpi eq, %shift_right_logical3A_93, %iota3A_91 : vector<2048x512xi32>
      %convert_element_type3A_95 = arith.extui %eq3A_94 : vector<2048x512xi1> to vector<2048x512xi32>
      %convert_element_type3A_96 = arith.sitofp %convert_element_type3A_95 : vector<2048x512xi32> to vector<2048x512xf32>
      %convert_element_type3A_97 = arith.truncf %convert_element_type3A_96 : vector<2048x512xf32> to vector<2048x512xbf16>
      %swap3A_98 = arith.constant 0 : index
      %swap3A_99 = arith.constant 0 : index
      %swap3A_100 = vector.load %arg8[%swap3A_98, %swap3A_99] : memref<2048x512xbf16, #tpu.memory_space<vmem>>, vector<2048x512xbf16>
      tpu.vector_store %arg8[%swap3A_98, %swap3A_99], %convert_element_type3A_97 {strides = array<i32>} : memref<2048x512xbf16, #tpu.memory_space<vmem>>, vector<2048x512xbf16>,
    } else {
    }
    %get3A = arith.constant 0 : index
    %get3A_2 = arith.constant 0 : index
    %get3A_3 = vector.load %arg1[%get3A, %get3A_2] : memref<512x128xf32, #tpu.memory_space<vmem>>, vector<512x128xf32>
    %get3A_4 = arith.constant 0 : index
    %get3A_5 = arith.constant 0 : index
    %get3A_6 = vector.load %arg2[%get3A_4, %get3A_5] : memref<512x128xi32, #tpu.memory_space<vmem>>, vector<512x128xi32>
    %eq3A_7 = arith.constant 1 : i32
    %eq3A_8 = vector.broadcast %eq3A_7 : i32 to vector<512x128xi32>
    %eq3A_9 = arith.cmpi eq, %get3A_6, %eq3A_8 : vector<512x128xi32>
    %convert_element_type3A_10 = arith.extui %eq3A_9 : vector<512x128xi1> to vector<512x128xi32>
    %convert_element_type3A_11 = arith.sitofp %convert_element_type3A_10 : vector<512x128xi32> to vector<512x128xf32>
    %ne3A = arith.constant 2 : i32
    %ne3A_12 = vector.broadcast %ne3A : i32 to vector<512x128xi32>
    %ne3A_13 = arith.cmpi ne, %get3A_6, %ne3A_12 : vector<512x128xi32>
    %convert_element_type3A_14 = arith.extui %ne3A_13 : vector<512x128xi1> to vector<512x128xi32>
    %convert_element_type3A_15 = arith.sitofp %convert_element_type3A_14 : vector<512x128xi32> to vector<512x128xf32>
    %max3A = arith.constant 0.000000e+00 : f32
    %max3A_16 = vector.broadcast %max3A : f32 to vector<512x128xf32>
    %max3A_17 = arith.maximumf %get3A_3, %max3A_16 : vector<512x128xf32>
    %mul3A = arith.mulf %get3A_3, %convert_element_type3A_11 : vector<512x128xf32>
    %sub3A = arith.subf %max3A_17, %mul3A : vector<512x128xf32>
    %abs3A = math.absf %get3A_3 : vector<512x128xf32>
    %neg3A = arith.constant 0.000000e+00 : f32
    %neg3A_18 = vector.broadcast %neg3A : f32 to vector<512x128xf32>
    %neg3A_19 = arith.subf %neg3A_18, %abs3A : vector<512x128xf32>
    %exp3A = math.exp %neg3A_19 : vector<512x128xf32>
    %add3A = arith.constant 1.000000e+00 : f32
    %add3A_20 = vector.broadcast %add3A : f32 to vector<512x128xf32>
    %add3A_21 = arith.addf %add3A_20, %exp3A : vector<512x128xf32>
    %log3A = math.log %add3A_21 : vector<512x128xf32>
    %add3A_22 = arith.addf %sub3A, %log3A : vector<512x128xf32>
    %mul3A_23 = arith.mulf %add3A_22, %convert_element_type3A_15 : vector<512x128xf32>
    %reduce_sum3A = vector.shape_cast %mul3A_23 : vector<512x128xf32> to vector<1x512x128xf32>
    %reduce_sum3A_24 = arith.constant dense<0.000000e+00> : vector<1xf32>
    %reduce_sum3A_25 = vector.multi_reduction <add>, %reduce_sum3A, %reduce_sum3A_24 [1, 2] : vector<1x512x128xf32> to vector<1xf32>
    %reduce_sum3A_26 = vector.shape_cast %reduce_sum3A_25 : vector<1xf32> to vector<1x1x1xf32>
    %reduce_sum3A_27 = vector.extract %reduce_sum3A_26[0, 0, 0] : f32 from vector<1x1x1xf32>
    %reduce_sum3A_28 = vector.shape_cast %convert_element_type3A_15 : vector<512x128xf32> to vector<1x512x128xf32>
    %reduce_sum3A_29 = arith.constant dense<0.000000e+00> : vector<1xf32>
    %reduce_sum3A_30 = vector.multi_reduction <add>, %reduce_sum3A_28, %reduce_sum3A_29 [1, 2] : vector<1x512x128xf32> to vector<1xf32>
    %reduce_sum3A_31 = vector.shape_cast %reduce_sum3A_30 : vector<1xf32> to vector<1x1x1xf32>
    %reduce_sum3A_32 = vector.extract %reduce_sum3A_31[0, 0, 0] : f32 from vector<1x1x1xf32>
    %get3A_33 = arith.constant 0 : index
    %get3A_34 = arith.constant 0 : index
    %get3A_35 = vector.load %arg3[%get3A_33, %get3A_34] : memref<2048x128xf32, #tpu.memory_space<vmem>>, vector<2048x128xf32>
    %get3A_36 = arith.constant 0 : index
    %get3A_37 = arith.constant 0 : index
    %get3A_38 = vector.load %arg4[%get3A_36, %get3A_37] : memref<2048x128xf32, #tpu.memory_space<vmem>>, vector<2048x128xf32>
    %sub3A_39 = arith.subf %get3A_35, %get3A_38 : vector<2048x128xf32>
    %abs3A_40 = math.absf %sub3A_39 : vector<2048x128xf32>
    %lt3A = arith.constant 0.111111112 : f32
    %lt3A_41 = vector.broadcast %lt3A : f32 to vector<2048x128xf32>
    %lt3A_42 = arith.cmpf olt, %abs3A_40, %lt3A_41 : vector<2048x128xf32>
    %mul3A_43 = arith.constant 4.500000e+00 : f32
    %mul3A_44 = vector.broadcast %mul3A_43 : f32 to vector<2048x128xf32>
    %mul3A_45 = arith.mulf %mul3A_44, %sub3A_39 : vector<2048x128xf32>
    %mul3A_46 = arith.mulf %mul3A_45, %sub3A_39 : vector<2048x128xf32>
    %sub3A_47 = arith.constant 0.055555556 : f32
    %sub3A_48 = vector.broadcast %sub3A_47 : f32 to vector<2048x128xf32>
    %sub3A_49 = arith.subf %abs3A_40, %sub3A_48 : vector<2048x128xf32>
    %select_n3A = arith.select %lt3A_42, %mul3A_46, %sub3A_49 : vector<2048x128xi1>, vector<2048x128xf32>
    %eq3A_50 = arith.constant 1 : i32
    %eq3A_51 = vector.broadcast %eq3A_50 : i32 to vector<512x128xi32>
    %eq3A_52 = arith.cmpi eq, %get3A_6, %eq3A_51 : vector<512x128xi32>
    %convert_element_type3A_53 = arith.extui %eq3A_52 : vector<512x128xi1> to vector<512x128xi32>
    %convert_element_type3A_54 = arith.sitofp %convert_element_type3A_53 : vector<512x128xi32> to vector<512x128xf32>
    %convert_element_type3A_55 = arith.truncf %convert_element_type3A_54 : vector<512x128xf32> to vector<512x128xbf16>
    %get3A_56 = arith.constant 0 : index
    %get3A_57 = arith.constant 0 : index
    %get3A_58 = vector.load %arg8[%get3A_56, %get3A_57] : memref<2048x512xbf16, #tpu.memory_space<vmem>>, vector<2048x512xbf16>
    %dot_general3A = arith.constant dense<0.000000e+00> : vector<2048x128xf32>
    %dot_general3A_59 = tpu.matmul %get3A_58, %convert_element_type3A_55, %dot_general3A {dimension_numbers = #tpu.dot_dimension_numbers<[1], [0], [0], [1], [0, 0, 1, 1], [], []>, transpose_lhs_hint = false} : vector<2048x512xbf16>, vector<512x128xbf16>, vector<2048x128xf32> -> vector<2048x128xf32>
    %mul3A_60 = arith.mulf %select_n3A, %dot_general3A_59 : vector<2048x128xf32>
    %reduce_sum3A_61 = vector.shape_cast %mul3A_60 : vector<2048x128xf32> to vector<1x2048x128xf32>
    %reduce_sum3A_62 = arith.constant dense<0.000000e+00> : vector<1xf32>
    %reduce_sum3A_63 = vector.multi_reduction <add>, %reduce_sum3A_61, %reduce_sum3A_62 [1, 2] : vector<1x2048x128xf32> to vector<1xf32>
    %reduce_sum3A_64 = vector.shape_cast %reduce_sum3A_63 : vector<1xf32> to vector<1x1x1xf32>
    %reduce_sum3A_65 = vector.extract %reduce_sum3A_64[0, 0, 0] : f32 from vector<1x1x1xf32>
    %eq3A_66 = arith.constant 0 : i32
    %eq3A_67 = arith.cmpi eq, %arg0, %eq3A_66 : i32
    %convert_element_type3A_68 = arith.extui %eq3A_67 : i1 to i32
    %cond3A_69 = arith.constant 0 : i32
    %cond3A_70 = arith.cmpi ne, %convert_element_type3A_68, %cond3A_69 : i32
    scf.if %cond3A_70 {
      %swap3A_91 = arith.constant 0.000000e+00 : f32
      %swap3A_92 = arith.constant 0 : index
      %swap3A_93 = arith.constant 0 : index
      %swap3A_94 = memref.load %arg5[%swap3A_92, %swap3A_93] : memref<1x1xf32, #tpu.memory_space<smem>>
      memref.store %swap3A_91, %arg5[%swap3A_92, %swap3A_93] : memref<1x1xf32, #tpu.memory_space<smem>>
      %swap3A_95 = arith.constant 0.000000e+00 : f32
      %swap3A_96 = arith.constant 0 : index
      %swap3A_97 = arith.constant 0 : index
      %swap3A_98 = memref.load %arg6[%swap3A_96, %swap3A_97] : memref<1x1xf32, #tpu.memory_space<smem>>
      memref.store %swap3A_95, %arg6[%swap3A_96, %swap3A_97] : memref<1x1xf32, #tpu.memory_space<smem>>
      %swap3A_99 = arith.constant 0.000000e+00 : f32
      %swap3A_100 = arith.constant 0 : index
      %swap3A_101 = arith.constant 0 : index
      %swap3A_102 = memref.load %arg7[%swap3A_100, %swap3A_101] : memref<1x1xf32, #tpu.memory_space<smem>>
      memref.store %swap3A_99, %arg7[%swap3A_100, %swap3A_101] : memref<1x1xf32, #tpu.memory_space<smem>>
    } else {
    }
    %get3A_71 = arith.constant 0 : index
    %get3A_72 = arith.constant 0 : index
    %get3A_73 = memref.load %arg5[%get3A_71, %get3A_72] : memref<1x1xf32, #tpu.memory_space<smem>>
    %add3A_74 = arith.addf %get3A_73, %reduce_sum3A_27 : f32
    %swap3A = arith.constant 0 : index
    %swap3A_75 = arith.constant 0 : index
    %swap3A_76 = memref.load %arg5[%swap3A, %swap3A_75] : memref<1x1xf32, #tpu.memory_space<smem>>
    memref.store %add3A_74, %arg5[%swap3A, %swap3A_75] : memref<1x1xf32, #tpu.memory_space<smem>>
    %get3A_77 = arith.constant 0 : index
    %get3A_78 = arith.constant 0 : index
    %get3A_79 = memref.load %arg6[%get3A_77, %get3A_78] : memref<1x1xf32, #tpu.memory_space<smem>>
    %add3A_80 = arith.addf %get3A_79, %reduce_sum3A_65 : f32
    %swap3A_81 = arith.constant 0 : index
    %swap3A_82 = arith.constant 0 : index
    %swap3A_83 = memref.load %arg6[%swap3A_81, %swap3A_82] : memref<1x1xf32, #tpu.memory_space<smem>>
    memref.store %add3A_80, %arg6[%swap3A_81, %swap3A_82] : memref<1x1xf32, #tpu.memory_space<smem>>
    %get3A_84 = arith.constant 0 : index
    %get3A_85 = arith.constant 0 : index
    %get3A_86 = memref.load %arg7[%get3A_84, %get3A_85] : memref<1x1xf32, #tpu.memory_space<smem>>
    %add3A_87 = arith.addf %get3A_86, %reduce_sum3A_32 : f32
    %swap3A_88 = arith.constant 0 : index
    %swap3A_89 = arith.constant 0 : index
    %swap3A_90 = memref.load %arg7[%swap3A_88, %swap3A_89] : memref<1x1xf32, #tpu.memory_space<smem>>
    memref.store %add3A_87, %arg7[%swap3A_88, %swap3A_89] : memref<1x1xf32, #tpu.memory_space<smem>>
    return
  }
  func.func @transform_0(%arg0: i32) -> (i32, i32) {
    %add3A = arith.constant 12 : i32
    %add3A_0 = arith.addi %add3A, %arg0 : i32
    %c0_i32 = arith.constant 0 : i32
    %c0_i32_1 = arith.constant 0 : i32
    return %add3A_0, %c0_i32 : i32, i32
  }
  func.func @transform_1(%arg0: i32) -> (i32, i32) {
    %add3A = arith.constant 12 : i32
    %add3A_0 = arith.addi %add3A, %arg0 : i32
    %c0_i32 = arith.constant 0 : i32
    %c0_i32_1 = arith.constant 0 : i32
    return %add3A_0, %c0_i32 : i32, i32
  }
  func.func @transform_2(%arg0: i32) -> (i32, i32) {
    %add3A = arith.constant 12 : i32
    %add3A_0 = arith.addi %add3A, %arg0 : i32
    %c0_i32 = arith.constant 0 : i32
    %c0_i32_1 = arith.constant 0 : i32
    return %add3A_0, %c0_i32 : i32, i32
  }
  func.func @transform_3(%arg0: i32) -> (i32, i32) {
    %add3A = arith.constant 12 : i32
    %add3A_0 = arith.addi %add3A, %arg0 : i32
    %c0_i32 = arith.constant 0 : i32
    %c0_i32_1 = arith.constant 0 : i32
    return %add3A_0, %c0_i32 : i32, i32
  }
  func.func @transform_4(%arg0: i32) -> (i32, i32) {
    %c0_i32 = arith.constant 0 : i32
    %c0_i32_0 = arith.constant 0 : i32
    %c0_i32_1 = arith.constant 0 : i32
    return %c0_i32, %c0_i32_0 : i32, i32
  }
  func.func @transform_5(%arg0: i32) -> (i32, i32) {
    %c0_i32 = arith.constant 0 : i32
    %c0_i32_0 = arith.constant 0 : i32
    %c0_i32_1 = arith.constant 0 : i32
    return %c0_i32, %c0_i32_0 : i32, i32
  }
  func.func @transform_6(%arg0: i32) -> (i32, i32) {
    %c0_i32 = arith.constant 0 : i32
    %c0_i32_0 = arith.constant 0 : i32
    %c0_i32_1 = arith.constant 0 : i32
    return %c0_i32, %c0_i32_0 : i32, i32
  }
}

</mosaic_0001>

<sc_bundles>
// kernel: kernel.4.cloned.1.call-start
scs
__scs_entry_jumppad:
0x0: {  	(pc) =	sbr.rel $0x88, $3  }
0x1: {  	(tag) =	ssettag $0x0;
	lr =	simm.s32 $0x1  }
0x2: {  	[smem:$0x3F9D] =	sst lr;
	_ =	strace $0xD0000000  }
0x3: {  	_ = 	snop  }
0x4: {  	_ = 	snop  }
0x5: {  	_ = 	snop  }
0x6: {  	_ = 	snop  }
0x7: {  	_ = 	snop  }
__scs_overlays_trampoline_lowered:
0x8: {  	[smem:$0x3FAC] =	sst s0  }
0x9: {  	[smem:$0x3FAD] =	sst s1  }
0xa: {  	[smem:$0x3FAE] =	sst s2  }
0xb: {  	[smem:$0x3FAF] =	sst s3  }
0xc: {  	[smem:$0x3FB0] =	sst s4  }
0xd: {  	[smem:$0x3FB1] =	sst s5  }
0xe: {  	[smem:$0x3FB2] =	sst s6  }
0xf: {  	[smem:$0x3FB3] =	sst s7  }
0x10: {  	[smem:$0x3FB4] =	sst s8  }
0x11: {  	[smem:$0x3FB5] =	sst s9;
	s0 =	simm.s32 @!p0 $0x0  }
0x12: {  	s1 =	sld [smem:$0x3F9B];
	s0 =	simm.s32 @p0 $0x1  }
0x13: {  	[smem:$0x3FB6] =	sst s0;
	s0 =	simm.s32 @!p1 $0x0  }
0x14: {  	s2 =	sld [smem:$0x3F9A];
	s0 =	simm.s32 @p1 $0x1  }
0x15: {  	[smem:$0x3FB7] =	sst s0;
	s0 =	simm.s32 @!p2 $0x0  }
0x16: {  	s3 =	sld [smem:$0x3FDB];
	s0 =	simm.s32 @p2 $0x1  }
0x17: {  	s4 =	simm.s32 $0x1BF5;
	[smem:$0x3FB9] =	sst s0  }
0x18: {  	s0 =	sld [smem:$0x3F9C];
	_ =	swait.ge [sflag:s4], $0x0  }
0x19: {  	s7 =	sld [smem:$0x3F9D]  }
0x1a: {  	s8 =	sadd.s32 $0xFFFFE003, lr  }
0x1b: {  	s9 =	sadd.s32 $0xFFFFFEF7, lr;
	s5 =	simm.s32 $0xFFFFFFFF;
	p2 =	slt.u32 s8, $0xFFFFF086  }
0x1c: {  	p1 =	slt.u32 s9, $0xF7A;
	s5 =	simm.s32 @!p2 $0x0  }
0x1d: {  	s5 =	simm.s32 @p1 $0x1;
	p0 =	seq.s32 s7, s2  }
0x1e: {  	s7 =	smul.u32 @!p0 $0xF7A, s2;
	p2 =	seq.s32 @!p0 s5, $0x0  }
0x1f: {  	s9 =	smul.u32 $0xF7A, s1;
	s8 =	simm.s32 @!p0 $0x1BF5;
	p2 =	por !p2, p0  }
0x20: {  	[sflag:s8] =	ssyncset.s32 @!p0 $0xFFFFF086;
	s6 =	sadd.s32 @!p0 s3, s7;
	s7 =	simm.s32 @!p0 $0x108  }
0x21: {  	s3 =	sadd.s32 s3, s9;
	s6 =	sadd.s32 @!p0 $0x88, s6;
	s7 =	simm.s32 @p2 $0x1082  }
0x22: {  	[simem:s7], [sflag:s8] =	dma.local @!p0 [hbm:s6], $0xF7A  }
0x23: {  	s9 =	sor.u32 $0xD0000000, s2;
	s6 =	simm.s32 $0x108;
	_ =	swait.ge @!p0 [sflag:s8], $0x0  }
0x24: {  	s3 =	sadd.s32 $0x88, s3;
	s6 =	simm.s32 @!p1 $0x1082;
	[sflag:s4] =	ssyncset.s32 $0xFFFFF086  }
0x25: {  	[simem:s6], [sflag:s4] =	dma.local [hbm:s3], $0xF7A  }
0x26: {  	[smem:$0x3F9D] =	sst s1;
	(tag) =	ssettag s2;
	_ =	strace s9  }
0x27: {  	s1 =	sld [smem:$0x3FAD]  }
0x28: {  	s2 =	sld [smem:$0x3FAE]  }
0x29: {  	s4 =	sld [smem:$0x3FB0]  }
0x2a: {  	p0 =	seq.s32 s5, $0x0;
	s5 =	sld [smem:$0x3FB1]  }
0x2b: {  	s6 =	sld [smem:$0x3FB2]  }
0x2c: {  	s7 =	sld [smem:$0x3FB3]  }
0x2d: {  	s3 =	simm.s32 $0x108;
	s8 =	sld [smem:$0x3FB4]  }
0x2e: {  	s3 =	simm.s32 @!p0 $0x1082;
	s9 =	sld [smem:$0x3FB5]  }
0x2f: {  	lr =	sadd.s32 s0, s3;
	s0 =	sld [smem:$0x3FAC]  }
0x30: {  	s3 =	sld [smem:$0x3FAF]  }
0x31: {  	[smem:$0x3FB8] =	sst s10  }
0x32: {  	s10 =	sld [smem:$0x3FB6];
	_ =	sdelay $0x3  }
0x33: {  	p0 =	seq.s32 s10, $0x1;
	s10 =	sld [smem:$0x3FB8];
	_ =	sdelay $0x3  }
0x34: {  	[smem:$0x3FB8] =	sst s10  }
0x35: {  	s10 =	sld [smem:$0x3FB7];
	_ =	sdelay $0x3  }
0x36: {  	p1 =	seq.s32 s10, $0x1;
	s10 =	sld [smem:$0x3FB8];
	_ =	sdelay $0x3  }
0x37: {  	[smem:$0x3FB8] =	sst s10  }
0x38: {  	s10 =	sld [smem:$0x3FB9]  }
0x39: {  	_ = 	snop;
	(pc) =	sbr.ind lr, $3  }
0x3a: {  	_ = 	snop  }
0x3b: {  	_ = 	snop  }
0x3c: {  	p2 =	seq.s32 s10, $0x1;
	s10 =	sld [smem:$0x3FB8]  }
0x3d: {  	_ =	shalt  }
0x3e: {  	_ =	shalt  }
0x3f: {  	_ =	shalt  }
0x40: {  	_ =	shalt  }
0x41: {  	_ =	shalt  }
0x42: {  	_ =	shalt  }
0x43: {  	_ =	shalt  }
0x44: {  	_ =	shalt  }
0x45: {  	_ =	shalt  }
0x46: {  	_ =	shalt  }
0x47: {  	_ =	shalt  }
0x48: {  	_ =	shalt  }
0x49: {  	_ =	shalt  }
0x4a: {  	_ =	shalt  }
0x4b: {  	_ =	shalt  }
0x4c: {  	_ =	shalt  }
0x4d: {  	_ =	shalt  }
0x4e: {  	_ =	shalt  }
0x4f: {  	_ =	shalt  }
0x50: {  	_ =	shalt  }
0x51: {  	_ =	shalt  }
0x52: {  	_ =	shalt  }
0x53: {  	_ =	shalt  }
0x54: {  	_ =	shalt  }
0x55: {  	_ =	shalt  }
0x56: {  	_ =	shalt  }
0x57: {  	_ =	shalt  }
0x58: {  	_ =	shalt  }
0x59: {  	_ =	shalt  }
0x5a: {  	_ =	shalt  }
0x5b: {  	_ =	shalt  }
0x5c: {  	_ =	shalt  }
0x5d: {  	_ =	shalt  }
0x5e: {  	_ =	shalt  }
0x5f: {  	_ =	shalt  }
0x60: {  	_ =	shalt  }
0x61: {  	_ =	shalt  }
0x62: {  	_ =	shalt  }
0x63: {  	_ =	shalt  }
0x64: {  	_ =	shalt  }
0x65: {  	_ =	shalt  }
0x66: {  	_ =	shalt  }
0x67: {  	_ =	shalt  }
0x68: {  	_ =	shalt  }
0x69: {  	_ =	shalt  }
0x6a: {  	_ =	shalt  }
0x6b: {  	_ =	shalt  }
0x6c: {  	_ =	shalt  }
0x6d: {  	_ =	shalt  }
0x6e: {  	_ =	shalt  }
0x6f: {  	_ =	shalt  }
0x70: {  	_ =	shalt  }
0x71: {  	_ =	shalt  }
0x72: {  	_ =	shalt  }
0x73: {  	_ =	shalt  }
0x74: {  	_ =	shalt  }
0x75: {  	_ =	shalt  }
0x76: {  	_ =	shalt  }
0x77: {  	_ =	shalt  }
0x78: {  	_ =	shalt  }
0x79: {  	_ =	shalt  }
0x7a: {  	_ =	shalt  }
0x7b: {  	_ =	shalt  }
0x7c: {  	_ =	shalt  }
0x7d: {  	_ =	shalt  }
0x7e: {  	_ =	shalt  }
0x7f: {  	_ =	shalt  }
0x80: {  	_ =	shalt  }
0x81: {  	_ =	shalt  }
0x82: {  	_ =	shalt  }
0x83: {  	_ =	shalt  }
0x84: {  	_ =	shalt  }
0x85: {  	_ =	shalt  }
0x86: {  	_ =	shalt  }
0x87: {  	_ =	shalt  }
.Lfunc_end0:
.L_simem_size_0:
called_computation_lowered:
.L_overlay_start_0:
0x88: {  	s2 =	sld [smem:$0x3FD9]  }
0x89: {  	s3 =	sld [smem:$0x3FFE];
	_ =	sdelay $0x1  }
0x8a: {  	s1 =	srdreg.scid  }
0x8b: {  	s0 =	sand.u32 $0x1, s1  }
0x8c: {  	s17 =	sshll.u32 s0, $0xA;
	s2 =	sadd.s32 s3, s2  }
0x8d: {  	s2 =	sadd.s32 s2, s17  }
0x8e: {  	[smem:$0x3FC4] =	sst s2  }
0x8f: {  	_ = 	snop  }
0x90: {  	s2 =	sld [smem:$0x3FC9]  }
0x91: {  	s18 =	sld [smem:$0x3FC8]  }
0x92: {  	s4 =	sld [smem:$0x3FC7]  }
0x93: {  	s5 =	sld [smem:$0x3FC6];
	(tm) =	ssettm $0x1  }
0x94: {  	s6 =	sld [smem:$0x3FFB];
	_ =	sdelay $0x3  }
0x95: {  	_ =	strace s6  }
0x96: {  	s6 =	sld [smem:$0x3FFC];
	_ =	sdelay $0x3  }
0x97: {  	_ =	strace s6  }
0x98: {  	s6 =	sld [smem:$0x3FFD];
	_ =	sdelay $0x3  }
0x99: {  	_ =	strace s6  }
0x9a: {  	_ =	strace $0x8FFFFFFF  }
0x9b: {  	s19 =	sld [smem:$0x3FDB];
	_ =	sdelay $0x1  }
0x9c: {  	s7 =	simm.s32 $_scs_section_size  }
0x9d: {  	s8 =	simm.s32 $_size__tile_overlayer_lowered;
	s9 =	simm.s32 $_tile_overlayer_lowered  }
0x9e: {  	s22 =	simm.s32 $0x1BFF;
	s21 =	sshll.u32 s9, $0x1;
	s6 =	sadd.s32 s7, s19  }
0x9f: {  	s10 =	simm.s32 $0x0;
	s20 =	sshll.u32 s8, $0x1;
	s8 =	sadd.s32 s21, s6  }
0xa0: {  	[timem:s10], [sflag:s22] =	dma.local [hbm:s8], s20  }
0xa1: {  	_ =	swait.ge [sflag:s22], s20  }
0xa2: {  	s7 =	ssub.s32 $0x0, s20;
	[sflag:s22] =	ssyncset.done $0x0  }
0xa3: {  	[sflag:s22] =	ssyncadd.s32 s7;
	_ =	sdelay $0x1  }
0xa4: {  	s23 =	simm.s32 $0x1B8B  }
0xa5: {  	_ =	swait.ge [sflag:s23], $0x1  }
0xa6: {  	[sflag:s23] =	ssyncset.done $0x0  }
0xa7: {  	s25 =	simm.s32 $0x1B8E;
	s24 =	sld [smem:$0x3FFE];
	[sflag:s23] =	ssyncadd.s32 $0xFFFFFFFF  }
0xa8: {  	s26 =	simm.s32 $execute0_lowered;
	[smem:$0x3FD2] =	sst s25  }
0xa9: {  	s8 =	sshll.u32 s26, $0x1;
	_ =	strace $0x80000046;
	[dreg:$0x1] =	wrdreg $0xFFFFFFFF  }
0xaa: {  	s28 =	simm.s32 $_size_execute0_lowered;
	s6 =	sadd.s32 s6, s8;
	[dreg:$0x0] =	wrdreg $0x0  }
0xab: {  	s8 =	sshll.u32 s28, $0x1;
	[dreg:$0x2] =	wrdreg s6  }
0xac: {  	[dreg:$0x3] =	wrdreg s8  }
0xad: {  	[dreg:$0x4] =	wrdreg $0xC0  }
0xae: {  	_ =	task [dreg:s10], $0x5FFFF  }
0xaf: {  	[dreg:$0x1] =	wrdreg $0xFFFFFFFF  }
0xb0: {  	[dreg:$0x0] =	wrdreg $0x60  }
0xb1: {  	[dreg:$0x2] =	wrdreg s2  }
0xb2: {  	[dreg:$0x3] =	wrdreg s5  }
0xb3: {  	[dreg:$0x4] =	wrdreg s18  }
0xb4: {  	[dreg:$0x5] =	wrdreg s4  }
0xb5: {  	[dreg:$0x6] =	wrdreg s24  }
0xb6: {  	[dreg:$0x7] =	wrdreg $0x9  }
0xb7: {  	_ =	task.clear_ibuf [dreg:s10], $0x8FFFF;
	_ =	strace $0x90000046  }
0xb8: {  	s29 =	simm.s32 $0x9;
	_ =	strace $0x80000048  }
0xb9: {  	_ =	swait.ge [sflag:s29], $0x1  }
0xba: {  	[sflag:s29] =	ssyncadd.s32 $0xFFFFFFFF  }
0xbb: {  	_ =	strace $0x90000048  }
0xbc: {  	_ =	sfence  }
0xbd: {  	s30 =	sld [smem:$0x0];
	_ =	sdelay $0x2  }
0xbe: {  	s31 =	sshll.u32 s1, $0xD;
	s1 =	sshrl.u32 s1, $0x2  }
0xbf: {  	s3 =	sand.u32 $0x4000, s31;
	s1 =	sadd.s32 s1, s30  }
0xc0: {  	s0 =	sor.u32 s3, s0;
	s1 =	sshll.u32 s1, $0x11  }
0xc1: {  	s0 =	sor.u32 s1, s0  }
0xc2: {  	s0 =	sadd.s32 $0x8F2B, s0  }
0xc3: {  	[sflag:s0] =	ssyncadd.remote.s32 $0x1  }
0xc4: {  	_ =	sfence.sel $0xFFFF  }
0xc5: {  	[dreg:$0x0] =	wrdreg $0xFFFFFFFF;
	(pc) =	sbr.abs _section_cstart, $3  }
0xc6: {  	[dreg:$0x1] =	wrdreg $0xFFFFFFFF  }
0xc7: {  	_ =	task.clear_ibuf [dreg:s10], $0x2FFFF;
	_ =	strace $0x9FFFFFFF  }
0xc8: {  	(tm) =	ssettm $0x7FFFFFFF  }
0xc9: {  	_ =	shalt  }
tec
execute0_lowered:
.L_overlay_start_1:
0x0: {  	(tag) =	ssettag $0x1  }
0x1: {  	s0 =	rddreg [dreg:$0x0]  }
0x2: {  	s1 =	rddreg [dreg:$0x1]  }
0x3: {  	s2 =	rddreg [dreg:$0x2]  }
0x4: {  	s3 =	srdreg.scid;
	s5 =	rddreg [dreg:$0x3]  }
0x5: {  	s4 =	rddreg [dreg:$0x4];
	s10 =	stileid.u32  }
0x6: {  	s18 =	simm.s32 $0x1000;
	s19 =	simm.s32 $0x3000;
	s20 =	simm.s32 $0x8000  }
0x7: {  	s21 =	simm.s32 $0x10000;
	s22 =	simm.s32 $0x1;
	s23 =	simm.s32 $0x2  }
0x8: {  	s24 =	simm.s32 $0x14000;
	s25 =	simm.s32 $0x3;
	s3 =	sand.u32 $0x1, s3  }
0x9: {  	s26 =	simm.s32 $0x0;
	s13 =	sshll.u32 s10, $0x4;
	s6 =	sshll.u32 s3, $0x4  }
0xa: {  	s3 =	ssub.s32 $0x2, s3;
	s13 =	sand.u32 $0x70, s13;
	s11 =	sor.u32 s10, s6  }
0xb: {  	s6 =	simm.s32 $0x0;
	s8 =	sshrl.u32 s3, $0x1;
	s7 =	smul.u32 $0xC0, s11  }
0xc: {  	s4 =	sadd.s32 s4, s13;
	[smem:$0x7FF] =	sst s6;
	s9 =	smul.u32 $0xC00, s11  }
0xd: {  	s3 =	ssub.s32 s3, s8;
	s12 =	smul.u32 $0x3000, s11;
	s14 =	sshll.u32 s11, $0x4  }
0xe: {  	_ =	strace $0x80000047;
	s14 =	sand.u32 $0x180, s14;
	s8 =	sadd.s32 s0, s9  }
0xf: {  	s9 =	sadd.s32 s1, s9;
	s10 =	sadd.s32 s2, s12;
	s11 =	sadd.s32 s5, s12  }
0x10: {  	v0 =	vimm.f32 $0.0e+00;
	v1 =	vimm.f32 $1.000000000e+00;
	s12 =	sadd.s32 $0x40, s7;
	s13 =	sadd.s32 s14, s4;
	s14 =	smax.u32 s3, $0x1  }
.LBB2_1:
0x11: {  	[tilespmem:s6], [sflag:$0x1] =	stream.linear.gather [hbm4b:s8+s6], $0x1000, $0x38;
	[tilespmem:$0x14080] =	vst v63  }
0x12: {  	s3 =	simm.s32 $0x2000  }
0x13: {  	[tilespmem:s3], [sflag:$0x1] =	stream.linear.gather [hbm4b:s9+s6], $0x1000, $0x38;
	[tilespmem:$0x14080] =	vst v63  }
0x14: {  	s30 =	simm.s32 $0x4000  }
0x15: {  	[tilespmem:s30], [sflag:$0x1] =	stream.linear.gather [hbm4b:s10+s6], $0x4000, $0x38;
	[tilespmem:$0x14080] =	vst v63  }
0x16: {  	s31 =	simm.s32 $0xC000;
	s28 =	simm.s32 $0x0  }
0x17: {  	v3 =	vimm.f32 $0.0e+00;
	v4 =	vimm.f32 $0.0e+00;
	v2 =	vimm.f32 $0.0e+00;
	[tilespmem:s31], [sflag:$0x1] =	stream.linear.gather [hbm4b:s11+s6], $0x4000, $0x38;
	[tilespmem:$0x14080] =	vst v63  }
.LBB2_2:
0x18: {  	s29 =	sshll.u32 s28, $0x6  }
0x19: {  	s3 =	sadd.s32 s29, s7  }
0x1a: {  	s3 =	sadd.s32 $0x20, s3  }
0x1b: {  	s4 =	sshll.u32 s3, $0x4  }
0x1c: {  	s31 =	simm.s32 $0x0;
	s3 =	sshll.u32 s3, $0x6;
	s30 =	sadd.s32 s0, s4  }
0x1d: {  	[tilespmem:s18], [sflag:$0x2] =	stream.linear.gather [hbm4b:s30+s31], $0x1000, $0x38;
	[tilespmem:$0x14080] =	vst v63  }
0x1e: {  	s4 =	sadd.s32 s1, s4;
	s3 =	sand.u32 $0x1FFFF800, s3  }
0x1f: {  	[tilespmem:s19], [sflag:$0x2] =	stream.linear.gather [hbm4b:s4+s31], $0x1000, $0x38;
	[tilespmem:$0x14080] =	vst v63  }
0x20: {  	s15 =	sadd.s32 s2, s3  }
0x21: {  	[tilespmem:s20], [sflag:$0x2] =	stream.linear.gather [hbm4b:s15+s31], $0x4000, $0x38;
	[tilespmem:$0x14080] =	vst v63  }
0x22: {  	s3 =	sadd.s32 s5, s3  }
0x23: {  	[tilespmem:s21], [sflag:$0x2] =	stream.linear.gather [hbm4b:s3+s31], $0x4000, $0x38;
	[tilespmem:$0x14080] =	vst v63  }
0x24: {  	_ =	swait.ge [sflag:s22], $0x1000  }
0x25: {  	[sflag:s22] =	ssyncset.done $0x0  }
0x26: {  	[sflag:s22] =	ssyncadd.s32 $0xFFFFF000  }
0x27: {  	_ =	swait.ge [sflag:s22], $0x1000  }
0x28: {  	[sflag:s22] =	ssyncset.done $0x0  }
0x29: {  	[sflag:s22] =	ssyncadd.s32 $0xFFFFF000  }
0x2a: {  	_ =	swait.ge [sflag:s22], $0x4000  }
0x2b: {  	[sflag:s22] =	ssyncset.done $0x0  }
0x2c: {  	[sflag:s22] =	ssyncadd.s32 $0xFFFFC000  }
0x2d: {  	_ =	swait.ge [sflag:s22], $0x4000  }
0x2e: {  	s17 =	simm.s32 $0x0;
	s16 =	sand.u32 $0x70, s31;
	[sflag:s22] =	ssyncset.done $0x0  }
0x2f: {  	s4 =	sor.u32 s16, s17;
	[sflag:s22] =	ssyncadd.s32 $0xFFFFC000  }
0x30: {  	s30 =	simm.s32 $0x0;
	v5 =	vld [tilespmem:s4+$0x4180]  }
0x31: {  	s3 =	sor.u32 s16, s30;
	v6 =	vld [tilespmem:s4+$0xC180]  }
0x32: {  	v7 =	vld [tilespmem:s3+$0x2000]  }
0x33: {  	v8 =	vld [tilespmem:s4+$0x4100]  }
0x34: {  	v9 =	vld [tilespmem:s4+$0xC100]  }
0x35: {  	v10 =	vld [tilespmem:s4+$0x4000]  }
0x36: {  	v11 =	vld [tilespmem:s4+$0xC000]  }
0x37: {  	v12 =	vld [tilespmem:s4+$0x4080]  }
0x38: {  	s15 =	simm.s32 $0x10;
	v13 =	vld [tilespmem:s4+$0xC080]  }
0x39: {  	s30 =	simm.s32 $0x0;
	s4 =	sand.u32 $0x70, s15  }
0x3a: {  	s16 =	sor.u32 s4, s30;
	s30 =	simm.s32 $0x0  }
0x3b: {  	s4 =	sor.u32 s4, s30  }
0x3c: {  	v18 =	vld [tilespmem:s4+$0x2000];
	v10 =	vsub.f32 v10, v11;
	v5 =	vsub.f32 v5, v6  }
0x3d: {  	vm0 =	veq.s32 v7, $0x1;
	v6 =	vsub.f32 v8, v9;
	v9 =	vsub.f32 v12, v13  }
0x3e: {  	vm14 =	veq.s32 v7, $0x2;
	v11 =	vsel vm0, $0x3F800000, v0;
	v8 =	vmul.f32 $4.500000000e+00, v10  }
0x3f: {  	s17 =	simm.s32 $0x20;
	v12 =	vand.u32 $0x7FFFFFFF, v10;
	v13 =	vmul.f32 $4.500000000e+00, v5;
	v15 =	vmul.f32 $4.500000000e+00, v9  }
0x40: {  	v14 =	vld [tilespmem:s3+$0x0];
	s3 =	sand.u32 $0x70, s17;
	s30 =	simm.s32 $0x0;
	v16 =	vmul.f32 $4.500000000e+00, v6;
	v8 =	vmul.f32 v8, v10;
	v10 =	vadd.f32 $-5.555555600e-02, v12  }
0x41: {  	v17 =	vld [tilespmem:s16+$0x4180];
	s15 =	sor.u32 s3, s30;
	s30 =	simm.s32 $0x0;
	vm10 =	vlt.f32 v12, $1.111111120e-01;
	vm15 =	veq.s32 v18, $0x1;
	v12 =	vand.u32 $0x7FFFFFFF, v9  }
0x42: {  	v19 =	vld [tilespmem:s16+$0x4080];
	s3 =	sor.u32 s3, s30;
	v9 =	vmul.f32 v15, v9;
	v8 =	vsel vm10, v8, v10;
	v10 =	vadd.f32 $-5.555555600e-02, v12  }
0x43: {  	v20 =	vld [tilespmem:s3+$0x2000];
	vm11 =	vlt.f32 v12, $1.111111120e-01;
	v12 =	vand.u32 $0x7FFFFFFF, v6;
	v6 =	vmul.f32 v16, v6  }
0x44: {  	v15 =	vld [tilespmem:s16+$0xC180];
	v8 =	vmul.f32 v8, v11;
	vm12 =	vlt.f32 v12, $1.111111120e-01;
	v9 =	vsel vm11, v9, v10  }
0x45: {  	v16 =	vld [tilespmem:s16+$0x4100];
	v10 =	vadd.f32 $-5.555555600e-02, v12;
	v12 =	vand.u32 $0x7FFFFFFF, v5;
	v5 =	vmul.f32 v13, v5  }
0x46: {  	v4 =	vadd.f32 v8, v4;
	v8 =	vmul.f32 v9, v11;
	v9 =	vld [tilespmem:s16+$0xC100];
	v13 =	vadd.f32 $-5.555555600e-02, v12  }
0x47: {  	vm13 =	vlt.f32 v12, $1.111111120e-01;
	v12 =	vand.u32 $0x7FFFFFFF, v14;
	v6 =	vsel vm12, v6, v10;
	v10 =	vld [tilespmem:s16+$0x4000]  }
0x48: {  	vm8 =	veq.s32 v18, $0x2;
	v7 =	vsub.f32 $0.0e+00, v12;
	v4 =	vadd.f32 v8, v4;
	v8 =	vld [tilespmem:s16+$0xC000]  }
0x49: {  	vm9 =	veq.s32 v20, $0x1;
	v12 =	vld [tilespmem:s16+$0xC080];
	v6 =	vmul.f32 v6, v11;
	v13 =	vsel vm13, v5, v13  }
0x4a: {  	v5 =	vsel vm14, $0x0, v1;
	vm14 =	veq.s32 v20, $0x2;
	v7 =	vmul.f32 $1.442695020e+00, v7  }
0x4b: {  	v4 =	vadd.f32 v6, v4;
	v6 =	vmul.f32 v13, v11;
	v11 =	vmul.f32 v11, v14  }
0x4c: {  	(erf) = vpow2.f32 v7;
	v7 =	vsub.f32 v17, v15;
	v9 =	vsub.f32 v16, v9  }
0x4d: {  	v13 =	vsel vm15, $0x3F800000, v0;
	v4 =	vadd.f32 v6, v4;
	v8 =	vsub.f32 v10, v8  }
0x4e: {  	v6 =	vmax.f32 v14, $0.0e+00;
	v12 =	vsub.f32 v19, v12;
	v15 =	vmul.f32 $4.500000000e+00, v7  }
0x4f: {  	v19 =	vmul.f32 $4.500000000e+00, v9;
	v11 =	vsub.f32 v6, v11;
	v10 =	vmul.f32 $4.500000000e+00, v8  }
0x50: {  	v6 =	vand.u32 $0x7FFFFFFF, v7;
	v16 =	vmul.f32 $4.500000000e+00, v12;
	v14 =	vand.u32 $0x7FFFFFFF, v8  }
0x51: {  	v22 =	vld [tilespmem:s15+$0xC080];
	vm7 =	vlt.f32 v6, $1.111111120e-01;
	v8 =	vmul.f32 v10, v8;
	v10 =	vadd.f32 $-5.555555600e-02, v14  }
0x52: {  	v17 =	vld [tilespmem:s4+$0x0];
	v7 =	vmul.f32 v15, v7;
	vm4 =	vlt.f32 v14, $1.111111120e-01;
	v14 =	vand.u32 $0x7FFFFFFF, v12  }
0x53: {  	v18 =	vld [tilespmem:s15+$0xC180];
	v8 =	vsel vm4, v8, v10;
	v10 =	vmul.f32 v16, v12;
	v12 =	vadd.f32 $-5.555555600e-02, v14  }
0x54: {  	v15 =	vld [tilespmem:s15+$0xC000];
	vm5 =	vlt.f32 v14, $1.111111120e-01;
	v14 =	vand.u32 $0x7FFFFFFF, v9;
	v8 =	vmul.f32 v8, v13  }
0x55: {  	v16 =	vld [tilespmem:s15+$0x4180];
	v9 =	vmul.f32 v19, v9;
	v10 =	vsel vm5, v10, v12;
	v12 =	vadd.f32 $-5.555555600e-02, v14  }
0x56: {  	v19 =	vld [tilespmem:s15+$0x4100];
	vm6 =	vlt.f32 v14, $1.111111120e-01;
	v4 =	vadd.f32 v8, v4;
	v8 =	vmul.f32 v10, v13  }
0x57: {  	v14 =	vadd.f32 $-5.555555600e-02, v6;
	v6 =	vand.u32 $0x7FFFFFFF, v17;
	v9 =	vsel vm6, v9, v12;
	v12 =	vld [tilespmem:s15+$0x4000]  }
0x58: {  	v21 =	vpop (erf);
	v10 =	vld [tilespmem:s15+$0xC100];
	v6 =	vsub.f32 $0.0e+00, v6;
	v4 =	vadd.f32 v8, v4;
	v8 =	vmul.f32 v9, v13  }
0x59: {  	v3 =	vadd.f32 v5, v3;
	v7 =	vsel vm7, v7, v14;
	v14 =	vadd.f32 $2.000000000e+00, v21;
	v9 =	vld [tilespmem:s15+$0x4080]  }
0x5a: {  	v7 =	vmul.f32 v7, v13;
	v6 =	vmul.f32 $1.442695020e+00, v6;
	v4 =	vadd.f32 v8, v4  }
0x5b: {  	v13 =	vmul.f32 v13, v17;
	(erf) = vrcp.f32 v14;
	v14 =	vsub.f32 v16, v18  }
0x5c: {  	v8 =	vsel vm8, $0x0, v1;
	v4 =	vadd.f32 v7, v4;
	v7 =	vsub.f32 v12, v15  }
0x5d: {  	(erf) = vpow2.f32 v6;
	v6 =	vsub.f32 v19, v10;
	v18 =	vand.u32 $0x7FFFFFFF, v14  }
0x5e: {  	v19 =	vmul.f32 $4.500000000e+00, v14;
	v9 =	vsub.f32 v9, v22;
	v10 =	vmul.f32 $4.500000000e+00, v7  }
0x5f: {  	v12 =	vmax.f32 v17, $0.0e+00;
	v15 =	vsel vm9, $0x3F800000, v0;
	v16 =	vand.u32 $0x7FFFFFFF, v7  }
0x60: {  	v17 =	vmul.f32 $4.500000000e+00, v9;
	v7 =	vmul.f32 v10, v7;
	v10 =	vadd.f32 $-5.555555600e-02, v16  }
0x61: {  	s16 =	simm.s32 $0x30;
	v22 =	vand.u32 $0x7FFFFFFF, v6;
	vm10 =	vlt.f32 v16, $1.111111120e-01;
	v16 =	vand.u32 $0x7FFFFFFF, v9  }
0x62: {  	s30 =	simm.s32 $0x0;
	s4 =	sand.u32 $0x70, s16;
	v9 =	vmul.f32 v17, v9;
	v17 =	vmul.f32 $4.500000000e+00, v6;
	v7 =	vsel vm10, v7, v10  }
0x63: {  	s17 =	sor.u32 s4, s30;
	vm11 =	vlt.f32 v16, $1.111111120e-01;
	v10 =	vadd.f32 $-5.555555600e-02, v16;
	v16 =	vld [tilespmem:s3+$0x0];
	v7 =	vmul.f32 v7, v15  }
0x64: {  	v24 =	vld [tilespmem:s17+$0x4000];
	v3 =	vadd.f32 v8, v3;
	vm12 =	vlt.f32 v22, $1.111111120e-01;
	v6 =	vmul.f32 v17, v6  }
0x65: {  	v17 =	vld [tilespmem:s17+$0x4180];
	v9 =	vsel vm11, v9, v10;
	v10 =	vadd.f32 $-5.555555600e-02, v22;
	v4 =	vadd.f32 v7, v4  }
0x66: {  	s30 =	simm.s32 $0x0;
	v22 =	vld [tilespmem:s17+$0xC100];
	v7 =	vmul.f32 v19, v14;
	v14 =	vadd.f32 $-5.555555600e-02, v18;
	v9 =	vmul.f32 v9, v15  }
0x67: {  	s4 =	sor.u32 s4, s30;
	vm13 =	vlt.f32 v18, $1.111111120e-01;
	v19 =	vld [tilespmem:s17+$0xC180];
	v6 =	vsel vm12, v6, v10;
	v10 =	vsub.f32 v12, v13;
	v12 =	vpop (erf)  }
0x68: {  	v18 =	vld [tilespmem:s4+$0x2000];
	v13 =	vsel vm13, v7, v14;
	v20 =	vpop (erf);
	v4 =	vadd.f32 v9, v4;
	v7 =	vand.u32 $0x7FFFFFFF, v16  }
0x69: {  	v6 =	vmul.f32 v6, v15;
	v12 =	vmul.f32 v12, v21;
	v21 =	vld [tilespmem:s17+$0xC000];
	v9 =	vadd.f32 $2.000000000e+00, v20  }
0x6a: {  	v14 =	vld [tilespmem:s17+$0x4100];
	v23 =	vsub.f32 $0.0e+00, v7;
	v7 =	vsel vm14, $0x0, v1;
	v13 =	vmul.f32 v13, v15  }
0x6b: {  	v4 =	vadd.f32 v6, v4;
	v25 =	vadd.f32 v7, v3;
	v3 =	vmul.f32 v15, v16;
	v15 =	vld [tilespmem:s17+$0xC080]  }
0x6c: {  	v26 =	vmul.f32 v12, v12;
	v12 =	vadd.f32 v12, v12;
	v6 =	vmul.f32 $1.442695020e+00, v23;
	v23 =	vld [tilespmem:s17+$0x4080]  }
0x6d: {  	(erf) = vrcp.f32 v9;
	v9 =	vmax.f32 v16, $0.0e+00;
	vm15 =	veq.s32 v18, $0x2  }
0x6e: {  	vm4 =	veq.s32 v18, $0x1;
	v4 =	vadd.f32 v13, v4;
	v13 =	vsub.f32 v24, v21  }
0x6f: {  	v16 =	vsub.f32 v17, v19;
	v9 =	vsub.f32 v9, v3;
	(erf) = vpow2.f32 v6  }
0x70: {  	v18 =	vsel vm4, $0x3F800000, v0;
	v6 =	vmul.f32 $1.111111120e-01, v26;
	v17 =	vmul.f32 $4.500000000e+00, v13  }
0x71: {  	v14 =	vsub.f32 v14, v22;
	v19 =	vand.u32 $0x7FFFFFFF, v13;
	v15 =	vsub.f32 v23, v15  }
0x72: {  	v6 =	vadd.f32 $1.428571490e-01, v6;
	v13 =	vmul.f32 v17, v13;
	v17 =	vadd.f32 $-5.555555600e-02, v19  }
0x73: {  	vm5 =	vlt.f32 v19, $1.111111120e-01;
	v23 =	vmul.f32 $4.500000000e+00, v14;
	v22 =	vmul.f32 $4.500000000e+00, v15  }
0x74: {  	v6 =	vmul.f32 v6, v26;
	v19 =	vand.u32 $0x7FFFFFFF, v15;
	v13 =	vsel vm5, v13, v17  }
0x75: {  	v17 =	vadd.f32 $-5.555555600e-02, v19;
	vm6 =	vlt.f32 v19, $1.111111120e-01;
	v15 =	vmul.f32 v22, v15;
	v22 =	vld [tilespmem:s4+$0x0];
	s4 =	simm.s32 $0x40  }
0x76: {  	s30 =	simm.s32 $0x0;
	s15 =	simm.s32 $0x0;
	v21 =	vmul.f32 $4.500000000e+00, v16;
	v19 =	vand.u32 $0x7FFFFFFF, v14;
	v6 =	vadd.f32 $2.000000030e-01, v6;
	s3 =	sand.u32 $0x70, s4  }
0x77: {  	v3 =	vsel vm15, $0x0, v1;
	v14 =	vmul.f32 v23, v14;
	v13 =	vmul.f32 v13, v18;
	s4 =	sor.u32 s3, s15;
	s3 =	sor.u32 s3, s30  }
0x78: {  	vm7 =	vlt.f32 v19, $1.111111120e-01;
	v6 =	vmul.f32 v6, v26;
	v15 =	vsel vm6, v15, v17;
	v23 =	vld [tilespmem:s3+$0x2000]  }
0x79: {  	v17 =	vadd.f32 $-5.555555600e-02, v19;
	v4 =	vadd.f32 v13, v4;
	v19 =	vpop (erf);
	v13 =	vmul.f32 v15, v18;
	v27 =	vld [tilespmem:s4+$0x4100]  }
0x7a: {  	v15 =	vand.u32 $0x7FFFFFFF, v16;
	v16 =	vmul.f32 v21, v16;
	v19 =	vmul.f32 v19, v20;
	v20 =	vld [tilespmem:s4+$0xC100]  }
0x7b: {  	v28 =	vld [tilespmem:s4+$0xC000];
	v14 =	vsel vm7, v14, v17;
	v21 =	vadd.f32 $-5.555555600e-02, v15;
	vm8 =	vlt.f32 v15, $1.111111120e-01  }
0x7c: {  	v24 =	vpop (erf);
	v29 =	vld [tilespmem:s4+$0x4080];
	v4 =	vadd.f32 v13, v4;
	v14 =	vmul.f32 v14, v18;
	v15 =	vand.u32 $0x7FFFFFFF, v22  }
0x7d: {  	v30 =	vld [tilespmem:s4+$0xC080];
	v32 =	vmul.f32 v19, v19;
	v16 =	vsel vm8, v16, v21;
	v21 =	vadd.f32 $2.000000000e+00, v24  }
0x7e: {  	v17 =	vld [tilespmem:s4+$0x4180];
	v15 =	vsub.f32 $0.0e+00, v15;
	v16 =	vmul.f32 v16, v18;
	v4 =	vadd.f32 v14, v4  }
0x7f: {  	v13 =	vld [tilespmem:s4+$0xC180];
	v14 =	vadd.f32 v3, v25;
	v18 =	vmul.f32 v18, v22;
	(erf) = vrcp.f32 v21  }
0x80: {  	v21 =	vld [tilespmem:s4+$0x4000];
	v25 =	vmul.f32 $1.442695020e+00, v15;
	v15 =	vadd.f32 v19, v19;
	v19 =	vmax.f32 v22, $0.0e+00  }
0x81: {  	v22 =	vadd.f32 $3.333333430e-01, v6;
	vm9 =	veq.s32 v23, $0x2;
	vm10 =	veq.s32 v23, $0x1  }
0x82: {  	v20 =	vsub.f32 v27, v20;
	v16 =	vadd.f32 v16, v4;
	v4 =	vmul.f32 $1.111111120e-01, v32  }
0x83: {  	v6 =	vsub.f32 v19, v18;
	(erf) = vpow2.f32 v25;
	v18 =	vmul.f32 v22, v26  }
0x84: {  	v13 =	vsub.f32 v17, v13;
	v17 =	vsel vm10, $0x3F800000, v0;
	v22 =	vsub.f32 v29, v30  }
0x85: {  	v29 =	vmul.f32 $4.500000000e+00, v20;
	v25 =	vadd.f32 $1.428571490e-01, v4;
	v19 =	vsub.f32 v21, v28  }
0x86: {  	v4 =	vsel vm9, $0x0, v1;
	v26 =	vand.u32 $0x7FFFFFFF, v13;
	v27 =	vmul.f32 $4.500000000e+00, v13  }
0x87: {  	v18 =	vadd.f32 $1.000000000e+00, v18;
	v21 =	vmul.f32 $4.500000000e+00, v19;
	v23 =	vand.u32 $0x7FFFFFFF, v19  }
0x88: {  	v25 =	vmul.f32 v25, v32;
	v28 =	vmul.f32 $4.500000000e+00, v22;
	vm11 =	vlt.f32 v23, $1.111111120e-01  }
0x89: {  	v19 =	vmul.f32 v21, v19;
	v21 =	vadd.f32 $-5.555555600e-02, v23;
	v23 =	vand.u32 $0x7FFFFFFF, v22  }
0x8a: {  	vm14 =	vlt.f32 v26, $1.111111120e-01;
	v13 =	vmul.f32 v27, v13;
	vm12 =	vlt.f32 v23, $1.111111120e-01  }
0x8b: {  	v19 =	vsel vm11, v19, v21;
	v21 =	vmul.f32 v28, v22;
	v22 =	vadd.f32 $-5.555555600e-02, v23;
	v28 =	vld [tilespmem:s3+$0x0]  }
0x8c: {  	s30 =	simm.s32 $0x50;
	v23 =	vand.u32 $0x7FFFFFFF, v20;
	v20 =	vmul.f32 v29, v20;
	v29 =	vpop (erf);
	v19 =	vmul.f32 v19, v17  }
0x8d: {  	s17 =	simm.s32 $0x0;
	s16 =	sand.u32 $0x70, s30;
	vm13 =	vlt.f32 v23, $1.111111120e-01;
	v24 =	vmul.f32 v29, v24;
	v29 =	vadd.f32 $2.000000030e-01, v25  }
0x8e: {  	s4 =	sor.u32 s16, s17;
	v21 =	vsel vm12, v21, v22;
	v22 =	vadd.f32 $-5.555555600e-02, v23;
	v23 =	vadd.f32 $-5.555555600e-02, v26  }
0x8f: {  	v25 =	vld [tilespmem:s4+$0xC100];
	v19 =	vadd.f32 v19, v16;
	v21 =	vmul.f32 v21, v17;
	v16 =	vpop (erf);
	v31 =	vmul.f32 v29, v32  }
0x90: {  	s31 =	simm.s32 $0x0;
	v29 =	vld [tilespmem:s4+$0xC000];
	v22 =	vsel vm13, v20, v22;
	v30 =	vadd.f32 $2.000000000e+00, v16;
	v26 =	vand.u32 $0x7FFFFFFF, v28  }
0x91: {  	s15 =	sor.u32 s16, s31;
	v20 =	vld [tilespmem:s4+$0x4180];
	v19 =	vadd.f32 v21, v19;
	v27 =	vmul.f32 v22, v17;
	v26 =	vsub.f32 $0.0e+00, v26  }
0x92: {  	v18 =	vmul.f32 v18, v12;
	v13 =	vsel vm14, v13, v23;
	v22 =	vld [tilespmem:s15+$0x2000];
	(erf) = vrcp.f32 v30  }
0x93: {  	v23 =	vld [tilespmem:s4+$0x4100];
	v13 =	vmul.f32 v13, v17;
	v19 =	vadd.f32 v27, v19;
	v26 =	vmul.f32 $1.442695020e+00, v26  }
0x94: {  	v14 =	vadd.f32 v4, v14;
	v21 =	vld [tilespmem:s4+$0xC180];
	v30 =	vmul.f32 v17, v28;
	v17 =	vmul.f32 v24, v24  }
0x95: {  	v33 =	vadd.f32 $3.333333430e-01, v31;
	v27 =	vld [tilespmem:s4+$0x4000];
	v19 =	vadd.f32 v13, v19;
	(erf) = vpow2.f32 v26  }
0x96: {  	v13 =	vadd.f32 v24, v24;
	v24 =	vmax.f32 v28, $0.0e+00;
	v28 =	vld [tilespmem:s4+$0x4080];
	v26 =	vmul.f32 $1.111111120e-01, v17  }
0x97: {  	v12 =	vsub.f32 v24, v30;
	vm15 =	veq.s32 v22, $0x2;
	v30 =	vld [tilespmem:s4+$0xC080];
	v24 =	vadd.f32 v18, v11  }
0x98: {  	s31 =	simm.s32 $0x7;
	s3 =	simm.s32 $0x6;
	s4 =	simm.s32 $0x8;
	v18 =	vld [tilespmem:s15+$0x0];
	v11 =	vsel vm15, $0x0, v1;
	v31 =	vadd.f32 $1.428571490e-01, v26;
	v26 =	vmul.f32 v33, v32  }
.LBB2_3:
0x99: {  	p0 =	sne.s32 s4, $0xFF;
	v14 =	vadd.f32 v11, v14;
	v32 =	vmul.f32 v24, v5;
	v33 =	vmovc v12;
	v5 =	vmovc v8;
	v8 =	vmov v7  }
0x9a: {  	v7 =	vmovc v3;
	v3 =	vmovc v4;
	v12 =	vsub.f32 v27, v29;
	v24 =	vmul.f32 v31, v17;
	v26 =	vadd.f32 $1.000000000e+00, v26  }
0x9b: {  	vm0 =	veq.s32 v22, $0x1;
	v22 =	vsub.f32 v23, v25;
	v20 =	vsub.f32 v20, v21;
	v25 =	vpop (erf)  }
0x9c: {  	v4 =	vmovc v11;
	v27 =	vsel vm0, $0x3F800000, v0;
	v21 =	vmul.f32 $4.500000000e+00, v12;
	v23 =	vsub.f32 v28, v30  }
0x9d: {  	v29 =	vmul.f32 $4.500000000e+00, v20;
	v11 =	vand.u32 $0x7FFFFFFF, v12;
	v28 =	vand.u32 $0x7FFFFFFF, v20  }
0x9e: {  	v12 =	vmul.f32 v21, v12;
	v21 =	vadd.f32 $-5.555555600e-02, v11;
	v30 =	vmul.f32 $4.500000000e+00, v23;
	v31 =	vpop (erf)  }
0x9f: {  	v34 =	vmul.f32 $4.500000000e+00, v22;
	vm0 =	vlt.f32 v11, $1.111111120e-01;
	v11 =	vand.u32 $0x7FFFFFFF, v23  }
0xa0: {  	v12 =	vsel vm0, v12, v21;
	v21 =	vmul.f32 v30, v23;
	v23 =	vadd.f32 $-5.555555600e-02, v11  }
0xa1: {  	vm0 =	vlt.f32 v11, $1.111111120e-01;
	v11 =	vand.u32 $0x7FFFFFFF, v22;
	v12 =	vmul.f32 v12, v27  }
0xa2: {  	s15 =	sshrl.u32 s3, $0x3;
	s30 =	sadd.s32 $0x10, s30;
	s3 =	smov.u32 s31;
	v22 =	vmul.f32 v34, v22;
	v21 =	vsel vm0, v21, v23;
	v23 =	vadd.f32 $-5.555555600e-02, v11  }
0xa3: {  	s31 =	smov.u32 s4;
	s16 =	sand.u32 $0x70, s30;
	s17 =	sshll.u32 s15, $0x9;
	vm0 =	vlt.f32 v11, $1.111111120e-01;
	v12 =	vadd.f32 v12, v19;
	v19 =	vmul.f32 v21, v27  }
0xa4: {  	s17 =	sor.u32 s16, s17;
	v11 =	vsel vm0, v22, v23;
	v22 =	vmul.f32 v29, v20;
	v23 =	vadd.f32 $-5.555555600e-02, v28  }
0xa5: {  	s15 =	sshll.u32 s15, $0x7;
	vm0 =	vlt.f32 v28, $1.111111120e-01;
	v20 =	vld [tilespmem:s17+$0x4180];
	v12 =	vadd.f32 v19, v12;
	v11 =	vmul.f32 v11, v27  }
0xa6: {  	s15 =	sor.u32 s16, s15;
	v28 =	vadd.f32 $2.000000000e+00, v31;
	v19 =	vand.u32 $0x7FFFFFFF, v18;
	v21 =	vld [tilespmem:s17+$0xC180];
	v23 =	vsel vm0, v22, v23  }
0xa7: {  	v19 =	vsub.f32 $0.0e+00, v19;
	v22 =	vld [tilespmem:s15+$0x2000];
	v11 =	vadd.f32 v11, v12;
	v12 =	vmul.f32 v23, v27  }
0xa8: {  	v24 =	vadd.f32 $2.000000030e-01, v24;
	v23 =	vld [tilespmem:s17+$0x4100];
	(erf) = vrcp.f32 v28;
	v28 =	vmul.f32 v25, v16;
	v16 =	vmovc v31  }
0xa9: {  	v30 =	vmul.f32 $1.442695020e+00, v19;
	v31 =	vmul.f32 v27, v18;
	v25 =	vld [tilespmem:s17+$0xC100];
	v19 =	vadd.f32 v12, v11  }
.Ltmp0:
0xaa: {  	v24 =	vmul.f32 v24, v17;
	v27 =	vld [tilespmem:s17+$0x4000];
	v34 =	vmul.f32 v28, v28;
	v11 =	vadd.f32 v28, v28;
	(pc) =	sbr.rel @p0 .LBB2_3-.Ltmp0, $4  }
0xab: {  	v12 =	vmax.f32 v18, $0.0e+00;
	v18 =	vmul.f32 v26, v15;
	v15 =	vmovc v13;
	v29 =	vld [tilespmem:s17+$0xC000];
	(erf) = vpow2.f32 v30  }
0xac: {  	v35 =	vadd.f32 $3.333333430e-01, v24;
	v12 =	vsub.f32 v12, v31;
	v28 =	vld [tilespmem:s17+$0x4080];
	v26 =	vmul.f32 $1.111111120e-01, v34;
	v13 =	vmovc v11  }
0xad: {  	v2 =	vadd.f32 v32, v2;
	v24 =	vadd.f32 v18, v10;
	v10 =	vmovc v9;
	v9 =	vmovc v6;
	vm0 =	veq.s32 v22, $0x2;
	v30 =	vld [tilespmem:s17+$0xC080]  }
0xae: {  	s4 =	sadd.s32 $0x1, s4;
	v6 =	vmovc v33;
	v11 =	vsel vm0, $0x0, v1;
	v18 =	vld [tilespmem:s15+$0x0];
	v31 =	vadd.f32 $1.428571490e-01, v26;
	v26 =	vmul.f32 v35, v17;
	v17 =	vmovc v34  }
0xaf: {  	_ = 	snop  }
0xb0: {  	v27 =	vsub.f32 v27, v29  }
0xb1: {  	vm0 =	veq.s32 v22, $0x1  }
0xb2: {  	v22 =	vsub.f32 v23, v25;
	v21 =	vsub.f32 v20, v21;
	v23 =	vmul.f32 $4.500000000e+00, v27  }
0xb3: {  	v29 =	vmul.f32 v31, v17;
	v25 =	vsub.f32 v28, v30;
	v20 =	vand.u32 $0x7FFFFFFF, v27  }
0xb4: {  	v34 =	vmul.f32 $4.500000000e+00, v21;
	v23 =	vmul.f32 v23, v27;
	v27 =	vadd.f32 $-5.555555600e-02, v20  }
0xb5: {  	v35 =	vand.u32 $0x7FFFFFFF, v22;
	vm5 =	vlt.f32 v20, $1.111111120e-01;
	v31 =	vmul.f32 $4.500000000e+00, v25  }
0xb6: {  	v28 =	vsel vm0, $0x3F800000, v0;
	v33 =	vand.u32 $0x7FFFFFFF, v25;
	v23 =	vsel vm5, v23, v27  }
0xb7: {  	v32 =	vpop (erf);
	v27 =	vand.u32 $0x7FFFFFFF, v18;
	v25 =	vmul.f32 v31, v25;
	v31 =	vadd.f32 $-5.555555600e-02, v33  }
0xb8: {  	v30 =	vand.u32 $0x7FFFFFFF, v21;
	v20 =	vpop (erf);
	vm6 =	vlt.f32 v33, $1.111111120e-01;
	v27 =	vsub.f32 $0.0e+00, v27  }
0xb9: {  	v42 =	vadd.f32 $2.000000000e+00, v20;
	v25 =	vsel vm6, v25, v31;
	v31 =	vmul.f32 $4.500000000e+00, v22  }
0xba: {  	vm7 =	vlt.f32 v35, $1.111111120e-01;
	v23 =	vmul.f32 v23, v28;
	v27 =	vmul.f32 $1.442695020e+00, v27  }
0xbb: {  	(erf) = vrcp.f32 v42;
	v22 =	vmul.f32 v31, v22;
	v31 =	vadd.f32 $-5.555555600e-02, v35  }
0xbc: {  	s3 =	sshrl.u32 s3, $0x3;
	s4 =	sadd.s32 $0x10, s30;
	v19 =	vadd.f32 v23, v19;
	v23 =	vmul.f32 v25, v28;
	(erf) = vpow2.f32 v27  }
0xbd: {  	s15 =	sand.u32 $0x70, s4;
	s16 =	sshll.u32 s3, $0x7;
	v21 =	vmul.f32 v34, v21;
	v25 =	vadd.f32 $-5.555555600e-02, v30;
	v22 =	vsel vm7, v22, v31  }
0xbe: {  	s16 =	sor.u32 s15, s16;
	vm8 =	vlt.f32 v30, $1.111111120e-01;
	v19 =	vadd.f32 v23, v19;
	v22 =	vmul.f32 v22, v28  }
0xbf: {  	v24 =	vmul.f32 v24, v5;
	s3 =	sshll.u32 s3, $0x9;
	v5 =	vadd.f32 $1.000000000e+00, v26;
	v23 =	vld [tilespmem:s16+$0x0];
	v21 =	vsel vm8, v21, v25  }
0xc0: {  	s3 =	sor.u32 s15, s3;
	v26 =	vld [tilespmem:s16+$0x2000];
	v21 =	vmul.f32 v21, v28;
	v19 =	vadd.f32 v22, v19;
	v22 =	vadd.f32 $2.000000030e-01, v29  }
0xc1: {  	v44 =	vld [tilespmem:s3+$0xC000];
	v45 =	vmul.f32 v5, v15  }
0xc2: {  	v27 =	vld [tilespmem:s3+$0x4180];
	v19 =	vadd.f32 v21, v19;
	v21 =	vmul.f32 v22, v17  }
0xc3: {  	v16 =	vmul.f32 v32, v16;
	v34 =	vadd.f32 v45, v10;
	v22 =	vld [tilespmem:s3+$0x4000]  }
0xc4: {  	v25 =	vld [tilespmem:s3+$0xC180];
	v28 =	vmul.f32 v28, v18;
	v43 =	vand.u32 $0x7FFFFFFF, v23;
	v31 =	vpop (erf);
	v21 =	vadd.f32 $3.333333430e-01, v21  }
0xc5: {  	v46 =	vld [tilespmem:s3+$0x4080];
	v30 =	vmul.f32 v16, v16;
	v18 =	vmax.f32 v18, $0.0e+00;
	v32 =	vsub.f32 $0.0e+00, v43;
	v15 =	vpop (erf)  }
0xc6: {  	v5 =	vsub.f32 v18, v28;
	v28 =	vadd.f32 $2.000000000e+00, v15;
	v17 =	vmul.f32 v21, v17;
	v21 =	vld [tilespmem:s3+$0xC080]  }
0xc7: {  	v10 =	vadd.f32 v16, v16;
	vm9 =	veq.s32 v26, $0x2;
	v29 =	vld [tilespmem:s3+$0x4100];
	v32 =	vmul.f32 $1.442695020e+00, v32  }
0xc8: {  	v18 =	vmul.f32 $1.111111120e-01, v30;
	v22 =	vsub.f32 v22, v44;
	(erf) = vrcp.f32 v28;
	v28 =	vld [tilespmem:s3+$0xC100]  }
0xc9: {  	s17 =	sshrl.u32 s31, $0x3;
	s4 =	sadd.s32 $0x10, s4;
	vm10 =	veq.s32 v26, $0x1;
	v25 =	vsub.f32 v27, v25;
	(erf) = vpow2.f32 v32  }
0xca: {  	s31 =	sshll.u32 s17, $0x7;
	s4 =	sand.u32 $0x70, s4;
	v16 =	vadd.f32 $1.428571490e-01, v18;
	v18 =	vadd.f32 v24, v2;
	v26 =	vmul.f32 $4.500000000e+00, v22  }
0xcb: {  	s15 =	sor.u32 s4, s31;
	v24 =	vmul.f32 v34, v8;
	v27 =	vand.u32 $0x7FFFFFFF, v22;
	v21 =	vsub.f32 v46, v21  }
0xcc: {  	v8 =	vld [tilespmem:s15+$0x0];
	v16 =	vmul.f32 v16, v30;
	v22 =	vmul.f32 v26, v22;
	v26 =	vadd.f32 $-5.555555600e-02, v27  }
0xcd: {  	vm11 =	vlt.f32 v27, $1.111111120e-01;
	v28 =	vsub.f32 v29, v28;
	v27 =	vand.u32 $0x7FFFFFFF, v21  }
0xce: {  	v29 =	vmul.f32 $4.500000000e+00, v21;
	v22 =	vsel vm11, v22, v26;
	v26 =	vadd.f32 $-5.555555600e-02, v27  }
0xcf: {  	v14 =	vadd.f32 v11, v14;
	v47 =	vsel vm10, $0x3F800000, v0  }
0xd0: {  	v49 =	vmul.f32 $4.500000000e+00, v25;
	v16 =	vadd.f32 $2.000000030e-01, v16;
	v21 =	vmul.f32 v29, v21  }
0xd1: {  	v22 =	vmul.f32 v22, v47;
	vm12 =	vlt.f32 v27, $1.111111120e-01;
	v29 =	vand.u32 $0x7FFFFFFF, v8;
	v27 =	vpop (erf)  }
0xd2: {  	v20 =	vmul.f32 v31, v20;
	v29 =	vsub.f32 $0.0e+00, v29;
	v21 =	vsel vm12, v21, v26;
	v26 =	vpop (erf)  }
0xd3: {  	v16 =	vmul.f32 v16, v30;
	v19 =	vadd.f32 v22, v19;
	v22 =	vadd.f32 $2.000000000e+00, v26  }
0xd4: {  	v2 =	vsel vm9, $0x0, v1;
	v48 =	vmul.f32 $4.500000000e+00, v28;
	v29 =	vmul.f32 $1.442695020e+00, v29  }
0xd5: {  	v17 =	vadd.f32 $1.000000000e+00, v17;
	v16 =	vadd.f32 $3.333333430e-01, v16;
	(erf) = vrcp.f32 v22  }
0xd6: {  	s3 =	sshll.u32 s17, $0x9;
	v33 =	vmul.f32 v48, v28;
	v28 =	vand.u32 $0x7FFFFFFF, v28;
	(erf) = vpow2.f32 v29  }
0xd7: {  	s3 =	sor.u32 s4, s3;
	v17 =	vmul.f32 v17, v13;
	vm13 =	vlt.f32 v28, $1.111111120e-01;
	v28 =	vadd.f32 $-5.555555600e-02, v28  }
0xd8: {  	v31 =	vld [tilespmem:s3+$0xC000];
	v16 =	vmul.f32 v16, v30;
	v21 =	vmul.f32 v21, v47;
	v22 =	vand.u32 $0x7FFFFFFF, v25  }
0xd9: {  	v52 =	vld [tilespmem:s3+$0x4100];
	v28 =	vsel vm13, v33, v28;
	v25 =	vmul.f32 v49, v25;
	v29 =	vadd.f32 $-5.555555600e-02, v22  }
0xda: {  	v30 =	vld [tilespmem:s3+$0xC100];
	v19 =	vadd.f32 v21, v19;
	v21 =	vmul.f32 v28, v47;
	vm14 =	vlt.f32 v22, $1.111111120e-01  }
0xdb: {  	v14 =	vadd.f32 v2, v14;
	v28 =	vld [tilespmem:s3+$0x4000];
	v22 =	vsel vm14, v25, v29  }
0xdc: {  	v50 =	vld [tilespmem:s3+$0x4180];
	v9 =	vadd.f32 v17, v9;
	v19 =	vadd.f32 v21, v19;
	v21 =	vmul.f32 v22, v47  }
0xdd: {  	v18 =	vadd.f32 v24, v18;
	v51 =	vld [tilespmem:s3+$0xC180];
	v16 =	vadd.f32 $1.000000000e+00, v16;
	v22 =	vmul.f32 v47, v23  }
0xde: {  	v13 =	vmax.f32 v23, $0.0e+00;
	v9 =	vmul.f32 v9, v7;
	v19 =	vadd.f32 v21, v19;
	v21 =	vld [tilespmem:s3+$0x4080];
	v17 =	vpop (erf)  }
0xdf: {  	v10 =	vmul.f32 v16, v10;
	v30 =	vsub.f32 v52, v30;
	v13 =	vsub.f32 v13, v22;
	v22 =	vld [tilespmem:s3+$0xC080];
	v24 =	vpop (erf)  }
0xe0: {  	v29 =	vmul.f32 v20, v20;
	v28 =	vsub.f32 v28, v31;
	v31 =	vadd.f32 $2.000000000e+00, v24  }
0xe1: {  	p0 =	seq.s32 s28, $0x2;
	v15 =	vmul.f32 v27, v15;
	v6 =	vadd.f32 v10, v6;
	v27 =	vmul.f32 $4.500000000e+00, v30;
	v25 =	vld [tilespmem:s15+$0x2000]  }
0xe2: {  	v32 =	vsub.f32 v50, v51;
	v23 =	vmul.f32 $1.111111120e-01, v29;
	s3 =	sadd.s32 @!p0 s29, s12;
	(erf) = vrcp.f32 v31  }
0xe3: {  	v9 =	vadd.f32 v9, v18;
	v3 =	vmul.f32 v6, v3;
	s4 =	sshll.u32 @!p0 s3, $0x4;
	v53 =	vmul.f32 $4.500000000e+00, v28  }
0xe4: {  	s16 =	simm.s32 @!p0 $0x0;
	v23 =	vadd.f32 $1.428571490e-01, v23;
	s3 =	sshll.u32 @!p0 s3, $0x6;
	s15 =	sadd.s32 @!p0 s0, s4;
	v21 =	vsub.f32 v21, v22;
	v22 =	vand.u32 $0x7FFFFFFF, v28  }
0xe5: {  	v27 =	vmul.f32 v27, v30;
	[tilespmem:s16], [sflag:$0x1] =	stream.linear.gather @!p0 [hbm4b:s15+s16], $0x1000, $0x38;
	v28 =	vmul.f32 v53, v28;
	v31 =	vadd.f32 $-5.555555600e-02, v22;
	[tilespmem:$0x14080] =	vst v63  }
0xe6: {  	vm15 =	veq.s32 v25, $0x2;
	vm4 =	veq.s32 v25, $0x1;
	s4 =	sadd.s32 @!p0 s1, s4;
	s3 =	sand.u32 @!p0 $0x1FFFF000, s3;
	s15 =	simm.s32 @!p0 $0x2000;
	vm5 =	vlt.f32 v22, $1.111111120e-01  }
0xe7: {  	v54 =	vsel vm4, $0x3F800000, v0;
	[tilespmem:s15], [sflag:$0x1] =	stream.linear.gather @!p0 [hbm4b:s4+s16], $0x1000, $0x38;
	v28 =	vsel vm5, v28, v31;
	v31 =	vand.u32 $0x7FFFFFFF, v21;
	[tilespmem:$0x14080] =	vst v63  }
0xe8: {  	v17 =	vmul.f32 v17, v26;
	s4 =	sadd.s32 @!p0 s2, s3;
	s15 =	simm.s32 @!p0 $0x4000;
	v55 =	vmul.f32 $4.500000000e+00, v21;
	v56 =	vadd.f32 $-5.555555600e-02, v31  }
0xe9: {  	[tilespmem:s15], [sflag:$0x1] =	stream.linear.gather @!p0 [hbm4b:s4+s16], $0x4000, $0x38;
	v28 =	vmul.f32 v28, v54;
	vm6 =	vlt.f32 v31, $1.111111120e-01;
	v31 =	vmul.f32 v15, v15;
	[tilespmem:$0x14080] =	vst v63  }
0xea: {  	v23 =	vmul.f32 v23, v29;
	v26 =	vand.u32 $0x7FFFFFFF, v30;
	s3 =	sadd.s32 @!p0 s5, s3;
	v30 =	vmul.f32 v17, v17;
	s4 =	simm.s32 @!p0 $0xC000  }
0xeb: {  	v21 =	vmul.f32 v55, v21;
	[tilespmem:s4], [sflag:$0x1] =	stream.linear.gather @!p0 [hbm4b:s3+s16], $0x4000, $0x38;
	v19 =	vadd.f32 v28, v19;
	v28 =	vmul.f32 $1.111111120e-01, v31;
	v57 =	vpop (erf);
	[tilespmem:$0x14080] =	vst v63  }
0xec: {  	v58 =	vadd.f32 $-5.555555600e-02, v26;
	vm7 =	vlt.f32 v26, $1.111111120e-01;
	v24 =	vmul.f32 v57, v24;
	_ =	swait.ge [sflag:s23], $0x1000  }
0xed: {  	v21 =	vsel vm6, v21, v56;
	v26 =	vadd.f32 $1.428571490e-01, v28;
	v28 =	vmul.f32 $1.111111120e-01, v30;
	[sflag:s23] =	ssyncset.done $0x0  }
0xee: {  	v25 =	vand.u32 $0x7FFFFFFF, v32;
	v21 =	vmul.f32 v21, v54;
	v59 =	vmul.f32 v24, v24;
	[sflag:s23] =	ssyncadd.s32 $0xFFFFF000  }
0xef: {  	v23 =	vadd.f32 $2.000000030e-01, v23;
	v26 =	vmul.f32 v26, v31;
	v28 =	vadd.f32 $1.428571490e-01, v28;
	_ =	swait.ge [sflag:s23], $0x1000  }
0xf0: {  	v60 =	vadd.f32 $-5.555555600e-02, v25;
	v19 =	vadd.f32 v21, v19;
	v21 =	vmul.f32 $1.111111120e-01, v59;
	[sflag:s23] =	ssyncset.done $0x0  }
0xf1: {  	v23 =	vmul.f32 v23, v29;
	v26 =	vadd.f32 $2.000000030e-01, v26;
	v28 =	vmul.f32 v28, v30;
	[sflag:s23] =	ssyncadd.s32 $0xFFFFF000  }
0xf2: {  	v3 =	vadd.f32 v3, v9;
	vm8 =	vlt.f32 v25, $1.111111120e-01;
	v21 =	vadd.f32 $1.428571490e-01, v21;
	_ =	swait.ge [sflag:s23], $0x4000  }
0xf3: {  	v23 =	vadd.f32 $3.333333430e-01, v23;
	v25 =	vmul.f32 v26, v31;
	v26 =	vadd.f32 $2.000000030e-01, v28;
	[sflag:s23] =	ssyncset.done $0x0  }
0xf4: {  	v20 =	vadd.f32 v20, v20;
	v7 =	vsel vm15, $0x0, v1;
	v21 =	vmul.f32 v21, v59;
	[sflag:s23] =	ssyncadd.s32 $0xFFFFC000  }
0xf5: {  	s16 =	simm.s32 $0x0;
	v23 =	vmul.f32 v23, v29;
	v25 =	vadd.f32 $3.333333430e-01, v25;
	v26 =	vmul.f32 v26, v30;
	_ =	swait.ge [sflag:s23], $0x4000  }
0xf6: {  	s17 =	simm.s32 $0x0;
	v6 =	vadd.f32 v17, v17;
	v22 =	vmul.f32 $4.500000000e+00, v32;
	s3 =	sand.u32 $0x70, s16;
	v16 =	vadd.f32 $2.000000030e-01, v21;
	[sflag:s23] =	ssyncset.done $0x0  }
0xf7: {  	s4 =	sor.u32 s3, s17;
	v21 =	vadd.f32 $1.000000000e+00, v23;
	v23 =	vmul.f32 v25, v31;
	v25 =	vadd.f32 $3.333333430e-01, v26;
	[sflag:s23] =	ssyncadd.s32 $0xFFFFC000  }
0xf8: {  	s31 =	simm.s32 $0x0;
	v27 =	vsel vm7, v27, v58;
	v15 =	vadd.f32 v15, v15;
	v10 =	vmul.f32 v16, v59;
	v16 =	vld [tilespmem:s4+$0x8180]  }
0xf9: {  	s3 =	sor.u32 s3, s31;
	v18 =	vmul.f32 v21, v20;
	v20 =	vadd.f32 $1.000000000e+00, v23;
	v21 =	vmul.f32 v25, v30;
	v23 =	vld [tilespmem:s4+$0x10180]  }
0xfa: {  	v27 =	vmul.f32 v27, v54;
	v22 =	vmul.f32 v22, v32;
	v17 =	vld [tilespmem:s3+$0x3000];
	v10 =	vadd.f32 $3.333333430e-01, v10  }
0xfb: {  	v12 =	vadd.f32 v18, v12;
	v15 =	vmul.f32 v20, v15;
	v18 =	vadd.f32 $1.000000000e+00, v21;
	v20 =	vld [tilespmem:s4+$0x8100]  }
0xfc: {  	v22 =	vsel vm8, v22, v60;
	v21 =	vmul.f32 v54, v8;
	v9 =	vmul.f32 v10, v59;
	v10 =	vld [tilespmem:s4+$0x10100]  }
0xfd: {  	v4 =	vmul.f32 v12, v4;
	v5 =	vadd.f32 v15, v5;
	v6 =	vmul.f32 v18, v6;
	v12 =	vld [tilespmem:s4+$0x8000]  }
0xfe: {  	v8 =	vmax.f32 v8, $0.0e+00;
	v15 =	vadd.f32 v24, v24;
	v18 =	vld [tilespmem:s4+$0x10000];
	v9 =	vadd.f32 $1.000000000e+00, v9  }
0xff: {  	v3 =	vadd.f32 v4, v3;
	v4 =	vmul.f32 v5, v11;
	v5 =	vadd.f32 v6, v13;
	v6 =	vld [tilespmem:s4+$0x8080]  }
0x100: {  	v19 =	vadd.f32 v27, v19;
	v8 =	vsub.f32 v8, v21;
	v11 =	vmul.f32 v22, v54;
	v13 =	vld [tilespmem:s4+$0x10080]  }
0x101: {  	v9 =	vmul.f32 v9, v15;
	v3 =	vadd.f32 v4, v3;
	v2 =	vmul.f32 v5, v2  }
0x102: {  	v14 =	vadd.f32 v7, v14;
	vm9 =	veq.s32 v17, $0x1;
	v4 =	vadd.f32 v11, v19  }
0x103: {  	vm14 =	veq.s32 v17, $0x2;
	v5 =	vadd.f32 v9, v8;
	v2 =	vadd.f32 v2, v3  }
0x104: {  	v3 =	vsub.f32 v12, v18;
	v8 =	vsub.f32 v20, v10;
	v10 =	vsel vm9, $0x3F800000, v0  }
0x105: {  	v6 =	vsub.f32 v6, v13;
	v5 =	vmul.f32 v5, v7;
	v7 =	vsub.f32 v16, v23  }
0x106: {  	s15 =	simm.s32 $0x10;
	v9 =	vmul.f32 $4.500000000e+00, v3;
	v11 =	vand.u32 $0x7FFFFFFF, v3;
	v16 =	vmul.f32 $4.500000000e+00, v8  }
0x107: {  	s16 =	simm.s32 $0x0;
	s31 =	simm.s32 $0x0;
	s4 =	sand.u32 $0x70, s15;
	v15 =	vmul.f32 $4.500000000e+00, v6;
	vm10 =	vlt.f32 v11, $1.111111120e-01;
	v12 =	vmul.f32 $4.500000000e+00, v7  }
0x108: {  	s17 =	sor.u32 s4, s16;
	s4 =	sor.u32 s4, s31;
	v3 =	vmul.f32 v9, v3;
	v9 =	vadd.f32 $-5.555555600e-02, v11;
	v11 =	vand.u32 $0x7FFFFFFF, v6  }
0x109: {  	v19 =	vld [tilespmem:s4+$0x3000];
	v2 =	vadd.f32 v5, v2;
	v5 =	vand.u32 $0x7FFFFFFF, v7;
	v6 =	vmul.f32 v15, v6  }
0x10a: {  	v17 =	vld [tilespmem:s17+$0x10080];
	vm11 =	vlt.f32 v11, $1.111111120e-01;
	v3 =	vsel vm10, v3, v9;
	v9 =	vadd.f32 $-5.555555600e-02, v11  }
0x10b: {  	v13 =	vld [tilespmem:s3+$0x1000];
	v11 =	vand.u32 $0x7FFFFFFF, v8;
	v8 =	vmul.f32 v16, v8;
	v3 =	vmul.f32 v3, v10  }
0x10c: {  	v16 =	vld [tilespmem:s17+$0x8100];
	v7 =	vmul.f32 v12, v7;
	v6 =	vsel vm11, v6, v9;
	v9 =	vadd.f32 $-5.555555600e-02, v11  }
0x10d: {  	v12 =	vld [tilespmem:s17+$0x8080];
	vm12 =	vlt.f32 v11, $1.111111120e-01;
	v3 =	vadd.f32 v3, v4;
	v4 =	vmul.f32 v6, v10  }
0x10e: {  	v8 =	vsel vm12, v8, v9;
	v9 =	vld [tilespmem:s17+$0x8000]  }
0x10f: {  	v11 =	vadd.f32 $-5.555555600e-02, v5;
	v3 =	vadd.f32 v4, v3;
	v4 =	vld [tilespmem:s17+$0x10000]  }
0x110: {  	vm13 =	vlt.f32 v5, $1.111111120e-01;
	v5 =	vand.u32 $0x7FFFFFFF, v13;
	v6 =	vld [tilespmem:s17+$0x10100]  }
0x111: {  	vm15 =	veq.s32 v19, $0x1;
	v7 =	vsel vm13, v7, v11;
	v11 =	vsub.f32 $0.0e+00, v5  }
0x112: {  	v18 =	vld [tilespmem:s17+$0x8180];
	vm8 =	veq.s32 v19, $0x2;
	v5 =	vsel vm14, $0x0, v1;
	v8 =	vmul.f32 v8, v10  }
0x113: {  	v15 =	vld [tilespmem:s17+$0x10180];
	v7 =	vmul.f32 v7, v10;
	v12 =	vsub.f32 v12, v17;
	v11 =	vmul.f32 $1.442695020e+00, v11  }
0x114: {  	v10 =	vmul.f32 v10, v13;
	v3 =	vadd.f32 v8, v3;
	v4 =	vsub.f32 v9, v4  }
0x115: {  	v8 =	vadd.f32 v5, v14;
	(erf) = vpow2.f32 v11;
	v6 =	vsub.f32 v16, v6  }
0x116: {  	v16 =	vmul.f32 $4.500000000e+00, v12;
	v3 =	vadd.f32 v7, v3;
	v11 =	vmul.f32 $4.500000000e+00, v4  }
0x117: {  	s15 =	simm.s32 $0x20;
	v7 =	vmax.f32 v13, $0.0e+00;
	v13 =	vsel vm15, $0x3F800000, v0;
	v14 =	vand.u32 $0x7FFFFFFF, v4  }
0x118: {  	s16 =	simm.s32 $0x0;
	s31 =	simm.s32 $0x0;
	s3 =	sand.u32 $0x70, s15;
	v9 =	vsub.f32 v18, v15;
	v4 =	vmul.f32 v11, v4;
	v11 =	vadd.f32 $-5.555555600e-02, v14  }
0x119: {  	v17 =	vld [tilespmem:s4+$0x1000];
	s17 =	sor.u32 s3, s16;
	s3 =	sor.u32 s3, s31;
	v18 =	vmul.f32 $4.500000000e+00, v6;
	vm4 =	vlt.f32 v14, $1.111111120e-01;
	v14 =	vand.u32 $0x7FFFFFFF, v12  }
0x11a: {  	v20 =	vld [tilespmem:s3+$0x3000];
	vm5 =	vlt.f32 v14, $1.111111120e-01;
	v4 =	vsel vm4, v4, v11;
	v11 =	vmul.f32 v16, v12  }
0x11b: {  	v22 =	vld [tilespmem:s17+$0x10080];
	v12 =	vadd.f32 $-5.555555600e-02, v14;
	v14 =	vand.u32 $0x7FFFFFFF, v6;
	v4 =	vmul.f32 v4, v13  }
0x11c: {  	v19 =	vld [tilespmem:s17+$0x10180];
	v15 =	vmul.f32 $4.500000000e+00, v9;
	v6 =	vmul.f32 v18, v6;
	vm6 =	vlt.f32 v14, $1.111111120e-01  }
0x11d: {  	v18 =	vld [tilespmem:s17+$0x8100];
	v11 =	vsel vm5, v11, v12;
	v12 =	vadd.f32 $-5.555555600e-02, v14;
	v3 =	vadd.f32 v4, v3  }
0x11e: {  	v14 =	vld [tilespmem:s17+$0x10100];
	v4 =	vmul.f32 v11, v13;
	v11 =	vsub.f32 v7, v10;
	v7 =	vand.u32 $0x7FFFFFFF, v9  }
0x11f: {  	v10 =	vld [tilespmem:s17+$0x8000];
	v9 =	vmul.f32 v15, v9;
	v6 =	vsel vm6, v6, v12;
	v12 =	vadd.f32 $-5.555555600e-02, v7  }
0x120: {  	v21 =	vpop (erf);
	v15 =	vld [tilespmem:s17+$0x10000];
	vm7 =	vlt.f32 v7, $1.111111120e-01;
	v3 =	vadd.f32 v4, v3;
	v4 =	vmul.f32 v6, v13  }
0x121: {  	v7 =	vld [tilespmem:s17+$0x8080];
	v6 =	vand.u32 $0x7FFFFFFF, v17;
	v9 =	vsel vm7, v9, v12;
	v12 =	vadd.f32 $2.000000000e+00, v21  }
0x122: {  	vm9 =	veq.s32 v20, $0x1;
	vm14 =	veq.s32 v20, $0x2;
	v16 =	vld [tilespmem:s17+$0x8180];
	v6 =	vsub.f32 $0.0e+00, v6  }
0x123: {  	v3 =	vadd.f32 v4, v3;
	v9 =	vmul.f32 v9, v13;
	(erf) = vrcp.f32 v12  }
0x124: {  	v4 =	vsel vm8, $0x0, v1;
	v6 =	vmul.f32 $1.442695020e+00, v6;
	v12 =	vmul.f32 v13, v17  }
0x125: {  	v3 =	vadd.f32 v9, v3;
	v9 =	vsub.f32 v10, v15;
	v10 =	vmax.f32 v17, $0.0e+00  }
0x126: {  	v7 =	vsub.f32 v7, v22;
	(erf) = vpow2.f32 v6;
	v6 =	vsub.f32 v18, v14  }
0x127: {  	v15 =	vsel vm9, $0x3F800000, v0;
	v14 =	vsub.f32 v16, v19;
	v10 =	vsub.f32 v10, v12  }
0x128: {  	v13 =	vmul.f32 $4.500000000e+00, v9;
	v16 =	vand.u32 $0x7FFFFFFF, v9;
	v17 =	vmul.f32 $4.500000000e+00, v7  }
0x129: {  	s15 =	simm.s32 $0x30;
	v18 =	vand.u32 $0x7FFFFFFF, v14;
	vm10 =	vlt.f32 v16, $1.111111120e-01;
	v19 =	vmul.f32 $4.500000000e+00, v14  }
0x12a: {  	s4 =	sand.u32 $0x70, s15;
	s16 =	simm.s32 $0x0;
	v22 =	vand.u32 $0x7FFFFFFF, v6;
	v9 =	vmul.f32 v13, v9;
	v13 =	vadd.f32 $-5.555555600e-02, v16  }
0x12b: {  	s17 =	sor.u32 s4, s16;
	v16 =	vand.u32 $0x7FFFFFFF, v7;
	v7 =	vmul.f32 v17, v7;
	v17 =	vmul.f32 $4.500000000e+00, v6  }
0x12c: {  	s31 =	simm.s32 $0x0;
	v20 =	vld [tilespmem:s17+$0x10100];
	vm11 =	vlt.f32 v16, $1.111111120e-01;
	v9 =	vsel vm10, v9, v13;
	v13 =	vadd.f32 $-5.555555600e-02, v16  }
0x12d: {  	s4 =	sor.u32 s4, s31;
	v16 =	vld [tilespmem:s3+$0x1000];
	v6 =	vmul.f32 v17, v6;
	v17 =	vadd.f32 $-5.555555600e-02, v18;
	v9 =	vmul.f32 v9, v15  }
0x12e: {  	vm13 =	vlt.f32 v18, $1.111111120e-01;
	v14 =	vmul.f32 v19, v14;
	v18 =	vld [tilespmem:s4+$0x3000];
	v7 =	vsel vm11, v7, v13  }
0x12f: {  	v24 =	vld [tilespmem:s17+$0x8000];
	v13 =	vadd.f32 $-5.555555600e-02, v22;
	v12 =	vpop (erf);
	v3 =	vadd.f32 v9, v3;
	v7 =	vmul.f32 v7, v15  }
0x130: {  	v8 =	vadd.f32 v4, v8;
	vm12 =	vlt.f32 v22, $1.111111120e-01;
	v19 =	vld [tilespmem:s17+$0x10180];
	v12 =	vmul.f32 v12, v21  }
0x131: {  	v9 =	vld [tilespmem:s17+$0x8180];
	v6 =	vsel vm12, v6, v13;
	v13 =	vsel vm13, v14, v17;
	v17 =	vpop (erf);
	v3 =	vadd.f32 v7, v3  }
0x132: {  	v21 =	vld [tilespmem:s17+$0x10000];
	v7 =	vand.u32 $0x7FFFFFFF, v16;
	v22 =	vmul.f32 v6, v15;
	v23 =	vadd.f32 $2.000000000e+00, v17  }
0x133: {  	v14 =	vld [tilespmem:s17+$0x8100];
	v6 =	vsel vm14, $0x0, v1;
	v13 =	vmul.f32 v13, v15;
	vm15 =	veq.s32 v18, $0x2  }
0x134: {  	vm4 =	veq.s32 v18, $0x1;
	v7 =	vsub.f32 $0.0e+00, v7;
	v3 =	vadd.f32 v22, v3  }
0x135: {  	v25 =	vld [tilespmem:s17+$0x10080];
	(erf) = vrcp.f32 v23;
	v23 =	vadd.f32 v6, v8;
	v8 =	vmul.f32 v15, v16  }
0x136: {  	v22 =	vld [tilespmem:s17+$0x8080];
	v15 =	vmul.f32 v12, v12;
	v7 =	vmul.f32 $1.442695020e+00, v7;
	v9 =	vsub.f32 v9, v19  }
0x137: {  	v19 =	vsel vm4, $0x3F800000, v0;
	v26 =	vadd.f32 v13, v3;
	v13 =	vadd.f32 v12, v12  }
0x138: {  	v3 =	vmax.f32 v16, $0.0e+00;
	v12 =	vsub.f32 v24, v21;
	v14 =	vsub.f32 v14, v20  }
0x139: {  	(erf) = vpow2.f32 v7;
	v7 =	vmul.f32 $1.111111120e-01, v15;
	v8 =	vsub.f32 v3, v8  }
0x13a: {  	v3 =	vsel vm15, $0x0, v1;
	v21 =	vmul.f32 $4.500000000e+00, v9;
	v16 =	vmul.f32 $4.500000000e+00, v12  }
0x13b: {  	v20 =	vand.u32 $0x7FFFFFFF, v12;
	v24 =	vmul.f32 $4.500000000e+00, v14;
	v18 =	vsub.f32 v22, v25  }
0x13c: {  	v7 =	vadd.f32 $1.428571490e-01, v7;
	v12 =	vmul.f32 v16, v12;
	v16 =	vadd.f32 $-5.555555600e-02, v20  }
0x13d: {  	vm5 =	vlt.f32 v20, $1.111111120e-01;
	v22 =	vmul.f32 $4.500000000e+00, v18;
	v20 =	vand.u32 $0x7FFFFFFF, v18  }
0x13e: {  	v7 =	vmul.f32 v7, v15;
	v12 =	vsel vm5, v12, v16;
	vm6 =	vlt.f32 v20, $1.111111120e-01  }
0x13f: {  	s16 =	simm.s32 $0x40;
	v16 =	vmul.f32 v22, v18;
	v18 =	vadd.f32 $-5.555555600e-02, v20;
	v12 =	vmul.f32 v12, v19  }
0x140: {  	s3 =	sand.u32 $0x70, s16;
	s17 =	simm.s32 $0x0;
	v20 =	vand.u32 $0x7FFFFFFF, v14;
	v14 =	vmul.f32 v24, v14;
	v24 =	vpop (erf);
	v7 =	vadd.f32 $2.000000030e-01, v7  }
0x141: {  	v22 =	vld [tilespmem:s4+$0x1000];
	s4 =	sor.u32 s3, s17;
	vm7 =	vlt.f32 v20, $1.111111120e-01;
	v17 =	vmul.f32 v24, v17;
	v16 =	vsel vm6, v16, v18  }
0x142: {  	v25 =	vld [tilespmem:s4+$0x10180];
	v18 =	vadd.f32 $-5.555555600e-02, v20;
	v20 =	vand.u32 $0x7FFFFFFF, v9;
	v9 =	vmul.f32 v21, v9  }
0x143: {  	v27 =	vld [tilespmem:s4+$0x8100];
	v12 =	vadd.f32 v12, v26;
	v7 =	vmul.f32 v7, v15;
	v16 =	vmul.f32 v16, v19  }
0x144: {  	s31 =	simm.s32 $0x0;
	v24 =	vld [tilespmem:s4+$0x10100];
	v21 =	vadd.f32 $-5.555555600e-02, v20;
	vm8 =	vlt.f32 v20, $1.111111120e-01;
	v14 =	vsel vm7, v14, v18  }
0x145: {  	s3 =	sor.u32 s3, s31;
	v28 =	vld [tilespmem:s4+$0x10000];
	v26 =	vpop (erf);
	v31 =	vmul.f32 v17, v17;
	v12 =	vadd.f32 v16, v12;
	v14 =	vmul.f32 v14, v19  }
0x146: {  	v20 =	vld [tilespmem:s3+$0x3000];
	v16 =	vand.u32 $0x7FFFFFFF, v22;
	v9 =	vsel vm8, v9, v21;
	v21 =	vadd.f32 $2.000000000e+00, v26  }
0x147: {  	v18 =	vld [tilespmem:s4+$0x8180];
	v16 =	vsub.f32 $0.0e+00, v16;
	v9 =	vmul.f32 v9, v19;
	v19 =	vmul.f32 v19, v22  }
0x148: {  	v12 =	vadd.f32 v14, v12;
	(erf) = vrcp.f32 v21;
	v21 =	vld [tilespmem:s4+$0x8000];
	v14 =	vadd.f32 v3, v23  }
0x149: {  	v29 =	vld [tilespmem:s4+$0x8080];
	v23 =	vmul.f32 $1.442695020e+00, v16;
	v16 =	vadd.f32 v17, v17;
	v17 =	vmax.f32 v22, $0.0e+00  }
0x14a: {  	v30 =	vld [tilespmem:s4+$0x10080];
	v22 =	vadd.f32 $3.333333430e-01, v7;
	v12 =	vadd.f32 v9, v12;
	v9 =	vmul.f32 $1.111111120e-01, v31  }
0x14b: {  	vm9 =	veq.s32 v20, $0x2;
	vm10 =	veq.s32 v20, $0x1;
	v20 =	vsub.f32 v27, v24  }
0x14c: {  	v18 =	vsub.f32 v18, v25;
	(erf) = vpow2.f32 v23;
	v23 =	vadd.f32 $1.428571490e-01, v9  }
0x14d: {  	v15 =	vmul.f32 v22, v15;
	v9 =	vsub.f32 v17, v19;
	v17 =	vsub.f32 v21, v28  }
0x14e: {  	v22 =	vsel vm10, $0x3F800000, v0;
	v25 =	vand.u32 $0x7FFFFFFF, v18;
	v27 =	vmul.f32 $4.500000000e+00, v18  }
0x14f: {  	v19 =	vmul.f32 v23, v31;
	v23 =	vsub.f32 v29, v30;
	v21 =	vmul.f32 $4.500000000e+00, v17  }
0x150: {  	vm14 =	vlt.f32 v25, $1.111111120e-01;
	v61 =	vadd.f32 $1.000000000e+00, v15;
	v24 =	vand.u32 $0x7FFFFFFF, v17  }
0x151: {  	v28 =	vmul.f32 $4.500000000e+00, v23;
	v17 =	vmul.f32 v21, v17;
	v21 =	vadd.f32 $-5.555555600e-02, v24  }
0x152: {  	v29 =	vmul.f32 $4.500000000e+00, v20;
	vm11 =	vlt.f32 v24, $1.111111120e-01;
	v24 =	vand.u32 $0x7FFFFFFF, v23  }
0x153: {  	v17 =	vsel vm11, v17, v21;
	v21 =	vmul.f32 v28, v23;
	v23 =	vadd.f32 $-5.555555600e-02, v24  }
0x154: {  	v18 =	vmul.f32 v27, v18;
	vm12 =	vlt.f32 v24, $1.111111120e-01;
	v28 =	vld [tilespmem:s3+$0x1000];
	v17 =	vmul.f32 v17, v22  }
0x155: {  	s30 =	simm.s32 $0x50;
	v24 =	vand.u32 $0x7FFFFFFF, v20;
	v20 =	vmul.f32 v29, v20;
	v21 =	vsel vm12, v21, v23  }
0x156: {  	s16 =	sand.u32 $0x70, s30;
	s17 =	simm.s32 $0x0;
	v30 =	vpop (erf);
	v23 =	vadd.f32 $-5.555555600e-02, v24;
	v12 =	vadd.f32 v17, v12;
	v29 =	vmul.f32 v21, v22  }
0x157: {  	s4 =	sor.u32 s16, s17;
	v26 =	vmul.f32 v30, v26;
	v30 =	vadd.f32 $2.000000030e-01, v19;
	vm13 =	vlt.f32 v24, $1.111111120e-01  }
0x158: {  	s31 =	simm.s32 $0x0;
	v24 =	vadd.f32 $-5.555555600e-02, v25;
	v21 =	vld [tilespmem:s4+$0x8180];
	v20 =	vsel vm13, v20, v23;
	v17 =	vpop (erf);
	v12 =	vadd.f32 v29, v12  }
0x159: {  	s15 =	sor.u32 s16, s31;
	v23 =	vld [tilespmem:s4+$0x10180];
	v20 =	vmul.f32 v20, v22;
	v25 =	vand.u32 $0x7FFFFFFF, v28;
	v27 =	vadd.f32 $2.000000000e+00, v17  }
0x15a: {  	v15 =	vmul.f32 v26, v26;
	v18 =	vsel vm14, v18, v24;
	v24 =	vld [tilespmem:s15+$0x3000];
	v29 =	vsub.f32 $0.0e+00, v25  }
0x15b: {  	v18 =	vmul.f32 v18, v22;
	v25 =	vld [tilespmem:s4+$0x8100];
	v12 =	vadd.f32 v20, v12;
	(erf) = vrcp.f32 v27  }
0x15c: {  	v7 =	vsel vm9, $0x0, v1;
	v32 =	vmul.f32 v61, v13;
	v20 =	vld [tilespmem:s4+$0x8000];
	v29 =	vmul.f32 $1.442695020e+00, v29  }
0x15d: {  	v62 =	vmul.f32 $1.111111120e-01, v15;
	v27 =	vld [tilespmem:s4+$0x10100];
	v19 =	vadd.f32 v18, v12;
	v18 =	vmul.f32 v30, v31  }
0x15e: {  	v14 =	vadd.f32 v7, v14;
	v22 =	vmul.f32 v22, v28;
	v30 =	vld [tilespmem:s4+$0x10000];
	(erf) = vpow2.f32 v29  }
0x15f: {  	v12 =	vadd.f32 v26, v26;
	v26 =	vmax.f32 v28, $0.0e+00;
	v28 =	vld [tilespmem:s4+$0x8080];
	v63 =	vadd.f32 $3.333333430e-01, v18  }
0x160: {  	vm15 =	veq.s32 v24, $0x2;
	v13 =	vsub.f32 v26, v22;
	v29 =	vld [tilespmem:s4+$0x10080];
	v26 =	vadd.f32 v32, v11  }
0x161: {  	s29 =	simm.s32 $0x7;
	s3 =	simm.s32 $0x6;
	s4 =	simm.s32 $0x8;
	v11 =	vsel vm15, $0x0, v1;
	v22 =	vadd.f32 $1.428571490e-01, v62;
	v18 =	vld [tilespmem:s15+$0x1000];
	v31 =	vmul.f32 v63, v31  }
.LBB2_5:
0x162: {  	p0 =	sne.s32 s4, $0xFF;
	v14 =	vadd.f32 v11, v14;
	v32 =	vmul.f32 v26, v5;
	v33 =	vmovc v13;
	v5 =	vmovc v4;
	v4 =	vmov v6  }
0x163: {  	v6 =	vmovc v3;
	v3 =	vmovc v7;
	v13 =	vsub.f32 v20, v30;
	v20 =	vmul.f32 v22, v15;
	v22 =	vadd.f32 $1.000000000e+00, v31  }
0x164: {  	vm0 =	veq.s32 v24, $0x1;
	v24 =	vsub.f32 v25, v27;
	v21 =	vsub.f32 v21, v23;
	v26 =	vpop (erf)  }
0x165: {  	v7 =	vmovc v11;
	v30 =	vsel vm0, $0x3F800000, v0;
	v23 =	vmul.f32 $4.500000000e+00, v13;
	v25 =	vsub.f32 v28, v29  }
0x166: {  	v27 =	vand.u32 $0x7FFFFFFF, v21;
	v11 =	vand.u32 $0x7FFFFFFF, v13;
	v28 =	vmul.f32 $4.500000000e+00, v21  }
0x167: {  	v13 =	vmul.f32 v23, v13;
	v23 =	vadd.f32 $-5.555555600e-02, v11;
	v29 =	vmul.f32 $4.500000000e+00, v25;
	v31 =	vpop (erf)  }
0x168: {  	v34 =	vmul.f32 $4.500000000e+00, v24;
	vm0 =	vlt.f32 v11, $1.111111120e-01;
	v11 =	vand.u32 $0x7FFFFFFF, v25  }
0x169: {  	v13 =	vsel vm0, v13, v23;
	v23 =	vmul.f32 v29, v25;
	v25 =	vadd.f32 $-5.555555600e-02, v11  }
0x16a: {  	vm0 =	vlt.f32 v11, $1.111111120e-01;
	v11 =	vand.u32 $0x7FFFFFFF, v24;
	v13 =	vmul.f32 v13, v30  }
0x16b: {  	s15 =	sshrl.u32 s3, $0x3;
	s30 =	sadd.s32 $0x10, s30;
	s3 =	smov.u32 s29;
	v24 =	vmul.f32 v34, v24;
	v23 =	vsel vm0, v23, v25;
	v25 =	vadd.f32 $-5.555555600e-02, v11  }
0x16c: {  	s29 =	smov.u32 s4;
	s16 =	sand.u32 $0x70, s30;
	s17 =	sshll.u32 s15, $0x9;
	vm0 =	vlt.f32 v11, $1.111111120e-01;
	v13 =	vadd.f32 v13, v19;
	v19 =	vmul.f32 v23, v30  }
0x16d: {  	s17 =	sor.u32 s16, s17;
	v11 =	vsel vm0, v24, v25;
	v24 =	vmul.f32 v28, v21;
	v25 =	vadd.f32 $-5.555555600e-02, v27  }
0x16e: {  	s15 =	sshll.u32 s15, $0x7;
	vm0 =	vlt.f32 v27, $1.111111120e-01;
	v21 =	vld [tilespmem:s17+$0x8180];
	v13 =	vadd.f32 v19, v13;
	v11 =	vmul.f32 v11, v30  }
0x16f: {  	s15 =	sor.u32 s16, s15;
	v27 =	vadd.f32 $2.000000000e+00, v31;
	v19 =	vand.u32 $0x7FFFFFFF, v18;
	v23 =	vld [tilespmem:s17+$0x10180];
	v25 =	vsel vm0, v24, v25  }
0x170: {  	v19 =	vsub.f32 $0.0e+00, v19;
	v24 =	vld [tilespmem:s15+$0x3000];
	v11 =	vadd.f32 v11, v13;
	v13 =	vmul.f32 v25, v30  }
0x171: {  	v26 =	vmul.f32 v26, v17;
	v17 =	vmovc v31;
	v28 =	vadd.f32 $2.000000030e-01, v20;
	v25 =	vld [tilespmem:s17+$0x8100];
	(erf) = vrcp.f32 v27  }
0x172: {  	v31 =	vmul.f32 v30, v18;
	v29 =	vmul.f32 $1.442695020e+00, v19;
	v27 =	vld [tilespmem:s17+$0x10100];
	v19 =	vadd.f32 v13, v11  }
.Ltmp1:
0x173: {  	v34 =	vmul.f32 v26, v26;
	v11 =	vadd.f32 v26, v26;
	v26 =	vmul.f32 v28, v15;
	v20 =	vld [tilespmem:s17+$0x8000];
	(pc) =	sbr.rel @p0 .LBB2_5-.Ltmp1, $4  }
0x174: {  	v13 =	vmax.f32 v18, $0.0e+00;
	v18 =	vmul.f32 v22, v16;
	v16 =	vmovc v12;
	v30 =	vld [tilespmem:s17+$0x10000];
	(erf) = vpow2.f32 v29  }
0x175: {  	v22 =	vmul.f32 $1.111111120e-01, v34;
	v13 =	vsub.f32 v13, v31;
	v31 =	vadd.f32 $3.333333430e-01, v26;
	v12 =	vmovc v11;
	v28 =	vld [tilespmem:s17+$0x8080]  }
0x176: {  	v2 =	vadd.f32 v32, v2;
	v26 =	vadd.f32 v18, v10;
	v10 =	vmovc v8;
	v8 =	vmovc v9;
	vm0 =	veq.s32 v24, $0x2;
	v29 =	vld [tilespmem:s17+$0x10080]  }
0x177: {  	s4 =	sadd.s32 $0x1, s4;
	v22 =	vadd.f32 $1.428571490e-01, v22;
	v9 =	vmovc v33;
	v11 =	vsel vm0, $0x0, v1;
	v31 =	vmul.f32 v31, v15;
	v15 =	vmovc v34;
	v18 =	vld [tilespmem:s15+$0x1000]  }
0x178: {  	_ =	sdelay $0x1  }
0x179: {  	vm0 =	veq.s32 v24, $0x1;
	v52 =	vsub.f32 v25, v27  }
0x17a: {  	v21 =	vsub.f32 v21, v23;
	v26 =	vmul.f32 v26, v5;
	v30 =	vsub.f32 v20, v30  }
0x17b: {  	v31 =	vadd.f32 $1.000000000e+00, v31;
	v55 =	vsel vm0, $0x3F800000, v0;
	v32 =	vpop (erf);
	v33 =	vand.u32 $0x7FFFFFFF, v18  }
0x17c: {  	v22 =	vmul.f32 v22, v15;
	v57 =	vand.u32 $0x7FFFFFFF, v21;
	v20 =	vpop (erf);
	v33 =	vsub.f32 $0.0e+00, v33  }
0x17d: {  	v60 =	vmul.f32 $4.500000000e+00, v21;
	v35 =	vmul.f32 $4.500000000e+00, v52;
	v34 =	vadd.f32 $2.000000000e+00, v20  }
0x17e: {  	v63 =	vand.u32 $0x7FFFFFFF, v52;
	v54 =	vmul.f32 $4.500000000e+00, v30;
	v53 =	vmul.f32 $1.442695020e+00, v33  }
0x17f: {  	v28 =	vsub.f32 v28, v29;
	v56 =	vand.u32 $0x7FFFFFFF, v30;
	(erf) = vrcp.f32 v34  }
0x180: {  	s4 =	sshrl.u32 s3, $0x3;
	s17 =	sadd.s32 $0x10, s30;
	v58 =	vadd.f32 $-5.555555600e-02, v56;
	v23 =	vmul.f32 v54, v30;
	(erf) = vpow2.f32 v53  }
0x181: {  	s15 =	sand.u32 $0x70, s17;
	s16 =	sshll.u32 s4, $0x7;
	v2 =	vadd.f32 v26, v2;
	v40 =	vadd.f32 $-5.555555600e-02, v63;
	vm12 =	vlt.f32 v56, $1.111111120e-01  }
0x182: {  	s4 =	sshll.u32 s4, $0x9;
	s16 =	sor.u32 s15, s16;
	vm14 =	vlt.f32 v63, $1.111111120e-01;
	v59 =	vmul.f32 $4.500000000e+00, v28;
	v23 =	vsel vm12, v23, v58  }
0x183: {  	s4 =	sor.u32 s15, s4;
	v43 =	vadd.f32 $-5.555555600e-02, v57;
	v61 =	vand.u32 $0x7FFFFFFF, v28;
	v33 =	vld [tilespmem:s16+$0x1000];
	v23 =	vmul.f32 v23, v55  }
0x184: {  	v36 =	vld [tilespmem:s4+$0x8180];
	vm15 =	vlt.f32 v57, $1.111111120e-01;
	v62 =	vadd.f32 $-5.555555600e-02, v61;
	v28 =	vmul.f32 v59, v28  }
0x185: {  	v42 =	vld [tilespmem:s4+$0x8000];
	v16 =	vmul.f32 v31, v16;
	vm13 =	vlt.f32 v61, $1.111111120e-01;
	v19 =	vadd.f32 v23, v19  }
0x186: {  	v37 =	vld [tilespmem:s4+$0x8100];
	v17 =	vmul.f32 v32, v17;
	v24 =	vmul.f32 v35, v52;
	v28 =	vsel vm13, v28, v62  }
0x187: {  	v45 =	vld [tilespmem:s4+$0x10100];
	v22 =	vadd.f32 $2.000000030e-01, v22;
	v21 =	vmul.f32 v60, v21;
	v41 =	vmul.f32 v28, v55  }
0x188: {  	v46 =	vld [tilespmem:s4+$0x8080];
	v27 =	vmul.f32 v55, v18;
	v16 =	vadd.f32 v16, v10;
	v38 =	vand.u32 $0x7FFFFFFF, v33;
	v34 =	vpop (erf)  }
0x189: {  	v47 =	vld [tilespmem:s4+$0x10080];
	v51 =	vmax.f32 v18, $0.0e+00;
	v23 =	vadd.f32 v41, v19;
	v38 =	vsub.f32 $0.0e+00, v38;
	v19 =	vpop (erf)  }
0x18a: {  	v49 =	vld [tilespmem:s4+$0x10180];
	v32 =	vmul.f32 v17, v17;
	v22 =	vmul.f32 v22, v15;
	v39 =	vadd.f32 $2.000000000e+00, v19  }
0x18b: {  	v35 =	vld [tilespmem:s16+$0x3000];
	v17 =	vadd.f32 v17, v17;
	v5 =	vsel vm15, v21, v43;
	v48 =	vmul.f32 $1.442695020e+00, v38  }
0x18c: {  	v44 =	vld [tilespmem:s4+$0x10000];
	v24 =	vsel vm14, v24, v40;
	v50 =	vmul.f32 v5, v55;
	(erf) = vrcp.f32 v39  }
0x18d: {  	s30 =	sshrl.u32 s29, $0x3;
	s3 =	sadd.s32 $0x10, s17;
	v5 =	vadd.f32 v11, v14;
	v14 =	vsub.f32 v51, v27;
	(erf) = vpow2.f32 v48  }
0x18e: {  	s31 =	sshll.u32 s30, $0x7;
	s3 =	sand.u32 $0x70, s3;
	v24 =	vmul.f32 v24, v55;
	v22 =	vadd.f32 $3.333333430e-01, v22;
	v54 =	vsub.f32 v37, v45  }
0x18f: {  	s15 =	sor.u32 s3, s31;
	v4 =	vmul.f32 v16, v4;
	v21 =	vsub.f32 v46, v47;
	v56 =	vsub.f32 v36, v49  }
0x190: {  	v10 =	vld [tilespmem:s15+$0x1000];
	vm4 =	veq.s32 v35, $0x1;
	vm9 =	veq.s32 v35, $0x2;
	v45 =	vmul.f32 v22, v15  }
0x191: {  	v2 =	vadd.f32 v4, v2;
	v28 =	vsub.f32 v42, v44;
	v59 =	vsel vm4, $0x3F800000, v0  }
0x192: {  	v60 =	vmul.f32 $4.500000000e+00, v21;
	v61 =	vand.u32 $0x7FFFFFFF, v21;
	v62 =	vmul.f32 $4.500000000e+00, v54  }
0x193: {  	v36 =	vand.u32 $0x7FFFFFFF, v54;
	v42 =	vmul.f32 $1.111111120e-01, v32;
	v25 =	vand.u32 $0x7FFFFFFF, v56  }
0x194: {  	v63 =	vadd.f32 $-5.555555600e-02, v61;
	vm6 =	vlt.f32 v61, $1.111111120e-01;
	v53 =	vmul.f32 $4.500000000e+00, v28  }
0x195: {  	v37 =	vadd.f32 $-5.555555600e-02, v36;
	v55 =	vand.u32 $0x7FFFFFFF, v28;
	v39 =	vand.u32 $0x7FFFFFFF, v10;
	v38 =	vpop (erf)  }
0x196: {  	v23 =	vadd.f32 v24, v23;
	v57 =	vmul.f32 v53, v28;
	v24 =	vsub.f32 $0.0e+00, v39;
	v28 =	vpop (erf)  }
0x197: {  	vm7 =	vlt.f32 v36, $1.111111120e-01;
	v43 =	vadd.f32 $-5.555555600e-02, v25;
	v40 =	vadd.f32 $2.000000000e+00, v28  }
0x198: {  	s4 =	sshll.u32 s30, $0x9;
	v15 =	vadd.f32 $1.000000000e+00, v45;
	v21 =	vmul.f32 v60, v21;
	v24 =	vmul.f32 $1.442695020e+00, v24  }
0x199: {  	s3 =	sor.u32 s3, s4;
	vm8 =	vlt.f32 v25, $1.111111120e-01;
	v41 =	vmul.f32 $4.500000000e+00, v56;
	(erf) = vrcp.f32 v40  }
0x19a: {  	v35 =	vld [tilespmem:s3+$0x10080];
	v58 =	vadd.f32 $-5.555555600e-02, v55;
	v12 =	vmul.f32 v15, v12;
	(erf) = vpow2.f32 v24  }
0x19b: {  	v61 =	vld [tilespmem:s3+$0x8080];
	vm5 =	vlt.f32 v55, $1.111111120e-01;
	v21 =	vsel vm6, v21, v63;
	v30 =	vmul.f32 v41, v56  }
0x19c: {  	v56 =	vmax.f32 v33, $0.0e+00;
	v8 =	vadd.f32 v12, v8;
	v27 =	vsel vm5, v57, v58  }
0x19d: {  	v52 =	vadd.f32 v50, v23;
	v23 =	vmul.f32 v62, v54;
	v27 =	vmul.f32 v27, v59  }
0x19e: {  	v51 =	vld [tilespmem:s3+$0x8100];
	v63 =	vsel vm9, $0x0, v1;
	v21 =	vmul.f32 v21, v59;
	v6 =	vmul.f32 v8, v6  }
0x19f: {  	v50 =	vld [tilespmem:s15+$0x3000];
	v23 =	vsel vm7, v23, v37;
	v18 =	vadd.f32 v27, v52;
	v27 =	vadd.f32 $1.428571490e-01, v42  }
0x1a0: {  	v58 =	vld [tilespmem:s3+$0x10100];
	v8 =	vsub.f32 v61, v35;
	v20 =	vmul.f32 v34, v20;
	v47 =	vmul.f32 v23, v59  }
0x1a1: {  	v5 =	vadd.f32 v63, v5;
	v52 =	vmul.f32 v59, v33;
	v44 =	vmul.f32 v27, v32  }
0x1a2: {  	v46 =	vld [tilespmem:s3+$0x8180];
	v41 =	vand.u32 $0x7FFFFFFF, v8;
	v2 =	vadd.f32 v6, v2;
	v29 =	vmul.f32 v20, v20;
	v57 =	vpop (erf)  }
0x1a3: {  	v20 =	vadd.f32 v20, v20;
	vm13 =	vlt.f32 v41, $1.111111120e-01;
	v48 =	vld [tilespmem:s3+$0x10180];
	v49 =	vadd.f32 $2.000000030e-01, v44;
	v60 =	vpop (erf)  }
0x1a4: {  	v55 =	vld [tilespmem:s3+$0x10000];
	v18 =	vadd.f32 v21, v18;
	vm10 =	veq.s32 v50, $0x2;
	v62 =	vadd.f32 $2.000000000e+00, v60  }
0x1a5: {  	v53 =	vld [tilespmem:s3+$0x8000];
	vm11 =	veq.s32 v50, $0x1;
	v21 =	vsub.f32 v51, v58;
	v23 =	vmul.f32 v49, v32  }
0x1a6: {  	v25 =	vsel vm11, $0x3F800000, v0;
	v18 =	vadd.f32 v47, v18;
	(erf) = vrcp.f32 v62  }
0x1a7: {  	v42 =	vmul.f32 $4.500000000e+00, v21;
	v23 =	vadd.f32 $3.333333430e-01, v23;
	v24 =	vsel vm8, v30, v43  }
0x1a8: {  	v16 =	vsub.f32 v46, v48;
	v46 =	vand.u32 $0x7FFFFFFF, v21;
	v24 =	vmul.f32 v24, v59  }
0x1a9: {  	v21 =	vmul.f32 v42, v21;
	v50 =	vadd.f32 $-5.555555600e-02, v46;
	v4 =	vmul.f32 v23, v32  }
0x1aa: {  	v19 =	vmul.f32 v38, v19;
	v54 =	vadd.f32 v24, v18;
	v18 =	vsub.f32 v53, v55  }
0x1ab: {  	v44 =	vadd.f32 $-5.555555600e-02, v41;
	vm14 =	vlt.f32 v46, $1.111111120e-01;
	v4 =	vadd.f32 $1.000000000e+00, v4  }
0x1ac: {  	v21 =	vsel vm14, v21, v50;
	v31 =	vmul.f32 v19, v19;
	v37 =	vmul.f32 $4.500000000e+00, v18  }
0x1ad: {  	v4 =	vmul.f32 v4, v17;
	v59 =	vmul.f32 $1.111111120e-01, v29;
	v38 =	vand.u32 $0x7FFFFFFF, v18  }
0x1ae: {  	v39 =	vadd.f32 $-5.555555600e-02, v38;
	v18 =	vmul.f32 v37, v18;
	v28 =	vmul.f32 v57, v28  }
0x1af: {  	v43 =	vmul.f32 $1.111111120e-01, v31;
	v27 =	vadd.f32 $1.428571490e-01, v59;
	vm12 =	vlt.f32 v38, $1.111111120e-01;
	v45 =	vpop (erf)  }
0x1b0: {  	v18 =	vsel vm12, v18, v39;
	v47 =	vmul.f32 v28, v28;
	v12 =	vmul.f32 v45, v60  }
0x1b1: {  	v22 =	vadd.f32 $1.428571490e-01, v43;
	v36 =	vmul.f32 v27, v29;
	v18 =	vmul.f32 v18, v25  }
0x1b2: {  	v19 =	vadd.f32 v19, v19;
	v48 =	vmul.f32 $1.111111120e-01, v47;
	v49 =	vmul.f32 v12, v12  }
0x1b3: {  	v40 =	vmul.f32 $4.500000000e+00, v8;
	v22 =	vmul.f32 v22, v31;
	v26 =	vadd.f32 $2.000000030e-01, v36  }
0x1b4: {  	v15 =	vadd.f32 v18, v54;
	v18 =	vadd.f32 $1.428571490e-01, v48;
	v51 =	vmul.f32 $1.111111120e-01, v49  }
0x1b5: {  	v4 =	vadd.f32 v4, v9;
	v22 =	vadd.f32 $2.000000030e-01, v22;
	v26 =	vmul.f32 v26, v29  }
0x1b6: {  	v8 =	vmul.f32 v40, v8;
	v18 =	vmul.f32 v18, v47;
	v30 =	vadd.f32 $1.428571490e-01, v51  }
0x1b7: {  	v3 =	vmul.f32 v4, v3;
	v22 =	vmul.f32 v22, v31;
	v26 =	vadd.f32 $3.333333430e-01, v26  }
0x1b8: {  	v24 =	vsub.f32 v56, v52;
	v18 =	vadd.f32 $2.000000030e-01, v18;
	v30 =	vmul.f32 v30, v49  }
0x1b9: {  	v8 =	vsel vm13, v8, v44;
	v22 =	vadd.f32 $3.333333430e-01, v22;
	v26 =	vmul.f32 v26, v29  }
0x1ba: {  	v52 =	vand.u32 $0x7FFFFFFF, v16;
	v18 =	vmul.f32 v18, v47;
	v30 =	vadd.f32 $2.000000030e-01, v30  }
0x1bb: {  	v53 =	vmul.f32 $4.500000000e+00, v16;
	v22 =	vmul.f32 v22, v31;
	v26 =	vadd.f32 $1.000000000e+00, v26  }
0x1bc: {  	v55 =	vmul.f32 v25, v10;
	v18 =	vadd.f32 $3.333333430e-01, v18;
	v30 =	vmul.f32 v30, v49  }
0x1bd: {  	v10 =	vmax.f32 v10, $0.0e+00;
	v56 =	vadd.f32 $1.000000000e+00, v22;
	v6 =	vmul.f32 v26, v20  }
0x1be: {  	v8 =	vmul.f32 v8, v25;
	v18 =	vmul.f32 v18, v47;
	v57 =	vadd.f32 $3.333333430e-01, v30  }
0x1bf: {  	v2 =	vadd.f32 v3, v2;
	v9 =	vmul.f32 v56, v19;
	v6 =	vadd.f32 v6, v13  }
0x1c0: {  	v4 =	vadd.f32 v28, v28;
	v58 =	vadd.f32 $1.000000000e+00, v18;
	v59 =	vmul.f32 v57, v49  }
0x1c1: {  	vm15 =	vlt.f32 v52, $1.111111120e-01;
	v3 =	vmul.f32 v6, v7;
	v7 =	vadd.f32 v9, v14  }
0x1c2: {  	v6 =	vadd.f32 v12, v12;
	v4 =	vmul.f32 v58, v4;
	v60 =	vadd.f32 $1.000000000e+00, v59  }
0x1c3: {  	v61 =	vmul.f32 v53, v16;
	v10 =	vsub.f32 v10, v55;
	v2 =	vadd.f32 v3, v2  }
0x1c4: {  	s28 =	sadd.s32 $0x1, s28;
	v3 =	vmul.f32 v7, v11;
	v4 =	vadd.f32 v4, v24;
	v6 =	vmul.f32 v60, v6  }
0x1c5: {  	p0 =	sne.s32 s28, $0x3;
	v54 =	vadd.f32 $-5.555555600e-02, v52;
	v62 =	vmul.f32 v21, v25;
	v7 =	vadd.f32 v8, v15  }
.Ltmp2:
0x1c6: {  	v2 =	vadd.f32 v3, v2;
	v3 =	vmul.f32 v4, v63;
	v4 =	vadd.f32 v6, v10;
	(pc) =	sbr.rel @p0 .LBB2_2-.Ltmp2, $4  }
0x1c7: {  	v23 =	vsel vm10, $0x0, v1;
	v7 =	vadd.f32 v62, v7;
	v6 =	vsel vm15, v61, v54  }
0x1c8: {  	v2 =	vadd.f32 v3, v2;
	v6 =	vmul.f32 v6, v25;
	v63 =	vmul.f32 v4, v23  }
0x1c9: {  	v3 =	vadd.f32 v23, v5  }
0x1ca: {  	v4 =	vadd.f32 v6, v7;
	v2 =	vadd.f32 v63, v2  }
0x1cb: {  	[tilespmem:$0x14020] =	vst v3  }
0x1cc: {  	[tilespmem:$0x14030] =	vst v0  }
0x1cd: {  	[tilespmem:$0x14040] =	vst v0  }
0x1ce: {  	[tilespmem:$0x14050] =	vst v0  }
0x1cf: {  	[tilespmem:$0x14060] =	vst v0  }
0x1d0: {  	[tilespmem:$0x14070] =	vst v0;
	s26 =	sadd.s32 $0x1, s26  }
0x1d1: {  	[tilespmem:$0x14000] =	vst v2;
	p0 =	sne.s32 s26, s14  }
.Ltmp3:
0x1d2: {  	[tilespmem:$0x14010] =	vst v4;
	(pc) =	sbr.rel @p0 .LBB2_1-.Ltmp3, $4  }
0x1d3: {  	[hbm4b:s13+s6] =	stream.linear.scatter [tilespmem:s24], [sflag:$0x3], $0x80, $0x38;
	[tilespmem:$0x14080] =	vst v63  }
0x1d4: {  	_ =	swait.ge [sflag:s25], $0x80  }
0x1d5: {  	[sflag:s25] =	ssyncset.done $0x0  }
0x1d6: {  	[sflag:s25] =	ssyncadd.s32 $0xFFFFFF80  }
0x1d7: {  	_ =	sfence.sel $0x180000  }
0x1d8: {  	[bflag:$0x0] =	sbarrier.arrive $0xFFFF  }
0x1d9: {  	_ =	strace $0x90000047  }
0x1da: {  	s0 =	stileid.u32;
	[bflag:$0x2] =	sbarrier.arrive $0xFFFF  }
0x1db: {  	p0 =	sne.s32 s0, $0x0;
	s0 =	rddreg [dreg:$0x5]  }
0x1dc: {  	s0 =	sadd.s32 @!p0 $0x100000, s0  }
0x1dd: {  	[sflag:s0] =	ssyncadd.tile.s32 @!p0 $0x1;
	_ =	shalt  }
.Lfunc_end2:
_tile_overlayer_lowered:
.L_overlay_start_2:
0x1de: {  	(tag) =	ssettag $0x2  }
0x1df: {  	s0 =	rddreg [dreg:$0x0];
	s2 =	stileid.u32  }
0x1e0: {  	s1 =	rddreg [dreg:$0x1];
	p0 =	sne.s32 s2, $0x0  }
0x1e1: {  	s3 =	rddreg [dreg:$0x2];
	[bflag:$0x3] =	sbarrier.arrive $0xFFFF;
	s2 =	simm.s32 @!p0 $0x1C03  }
0x1e2: {  	[timem:s3], [sflag:s2] =	dma.local @!p0 [hbm:s0], s1  }
0x1e3: {  	s0 =	simm.s32 @!p0 $0x3  }
0x1e4: {  	_ =	swait.ge @!p0 [sflag:s0], s1  }
0x1e5: {  	s1 =	ssub.s32 @!p0 $0x0, s1;
	[sflag:s0] =	ssyncset.done @!p0 $0x0  }
0x1e6: {  	[sflag:s0] =	ssyncadd.s32 @!p0 s1  }
0x1e7: {  	[bflag:$0x3] =	sbarrier.arrive $0xFFFF  }
0x1e8: {  	_ =	shalt  }

</sc_bundles>
